<compile_context>
chip_gen: v7x
topology: tpu7x:2x2x1
jax: 0.10.2.dev20260603
libtpu: 0.0.44.dev20260713+nightly
codegen_flags: <defaults>
</compile_context>

<pallas_src>
import functools

import jax
import jax.numpy as jnp
from jax import lax
from jax.experimental import pallas as pl
from jax.experimental.pallas import tpu as pltpu
from jax.experimental.pallas import tpu_sc as plsc

HIDDEN = 1024
FFN = 4096
NE = 8
TOPK = 2
NTOK = 2048
NPAIR = NTOK * TOPK

BT = 512
MAXT = 15
P = MAXT * BT
FC = 1024
NF = FFN // FC

NC = 2
NS = 16
NW = NC * NS
GCH = 32


def _router_body(x_ref, wr_ref, i0_ref, i1_ref, w0_ref, w1_ref):
    x = x_ref[...]
    wr = wr_ref[...]
    logits = lax.dot_general(x, wr, (((1,), (1,)), ((), ())),
                             preferred_element_type=jnp.float32)
    col = lax.broadcasted_iota(jnp.int32, (NTOK, NE), 1)
    m0 = jnp.max(logits, axis=1, keepdims=True)
    i0 = jnp.min(jnp.where(logits == m0, col, NE), axis=1, keepdims=True)
    masked = jnp.where(col == i0, -jnp.inf, logits)
    m1 = jnp.max(masked, axis=1, keepdims=True)
    i1 = jnp.min(jnp.where(masked == m1, col, NE), axis=1, keepdims=True)
    e1 = jnp.exp(m1 - m0)
    denom = 1.0 + e1
    i0_ref[...] = i0
    i1_ref[...] = i1
    w0_ref[...] = 1.0 / denom
    w1_ref[...] = e1 / denom


def _router(xf, Wr):
    return pl.pallas_call(
        _router_body,
        out_shape=(
            jax.ShapeDtypeStruct((NTOK, 1), jnp.int32),
            jax.ShapeDtypeStruct((NTOK, 1), jnp.int32),
            jax.ShapeDtypeStruct((NTOK, 1), jnp.float32),
            jax.ShapeDtypeStruct((NTOK, 1), jnp.float32),
        ),
    )(xf, Wr)


def _dispatch(i0, i1, w0, w1):
    flat_e = jnp.concatenate([i0, i1], axis=1).reshape(-1)
    flat_w = jnp.concatenate([w0, w1], axis=1).reshape(-1)
    onehot = (flat_e[:, None] == jnp.arange(NE)[None, :]).astype(jnp.int32)
    csum = jnp.cumsum(onehot, axis=0)
    rank = jnp.take_along_axis(csum, flat_e[:, None], axis=1)[:, 0] - 1
    counts = csum[-1]
    padded = ((counts + BT - 1) // BT) * BT
    cum_padded = jnp.cumsum(padded)
    pad_off = cum_padded - padded
    slot = pad_off[flat_e] + rank
    w_slot = jnp.zeros((P,), jnp.float32).at[slot].set(flat_w)
    s0 = slot[0::TOPK].astype(jnp.int32)
    s1 = slot[1::TOPK].astype(jnp.int32)
    num_active = (cum_padded[-1] // BT).astype(jnp.int32)
    tile_base = jnp.arange(MAXT, dtype=jnp.int32) * BT
    raw = jnp.searchsorted(cum_padded, tile_base, side='right').astype(jnp.int32)
    last_e = jnp.take(raw, num_active - 1)
    active = tile_base < cum_padded[-1]
    tile_expert = jnp.where(active, jnp.minimum(raw, NE - 1), last_e)
    tile_valid = active.astype(jnp.int32)
    return w_slot, s0, s1, tile_expert, tile_valid


TPW = NTOK // NW


def _sc_scatter_body(x_hbm, s0_hbm, s1_hbm, xs_hbm, i0_v, i1_v, rows_v,
                     s0sem, s1sem):
    wid = lax.axis_index("s") * NC + lax.axis_index("c")
    pltpu.sync_copy(x_hbm.at[pl.ds(wid * TPW, TPW)], rows_v)
    pltpu.sync_copy(s0_hbm.at[wid], i0_v)
    pltpu.sync_copy(s1_hbm.at[wid], i1_v)
    h0 = pltpu.async_copy(rows_v, xs_hbm.at[i0_v], s0sem)
    h1 = pltpu.async_copy(rows_v, xs_hbm.at[i1_v], s1sem)
    h0.wait()
    h1.wait()


def _sc_scatter(xf, s0, s1):
    mesh = plsc.VectorSubcoreMesh(core_axis_name="c", subcore_axis_name="s")
    return pl.kernel(
        _sc_scatter_body,
        mesh=mesh,
        out_type=jax.ShapeDtypeStruct((P, HIDDEN), jnp.float32),
        scratch_types=[
            pltpu.VMEM((TPW,), jnp.int32),
            pltpu.VMEM((TPW,), jnp.int32),
            pltpu.VMEM((TPW, HIDDEN), jnp.float32),
            pltpu.SemaphoreType.DMA,
            pltpu.SemaphoreType.DMA,
        ],
    )(xf, s0.reshape(NW, TPW), s1.reshape(NW, TPW))


def _ffn_body(te_ref, va_ref, xs_ref, w1_ref, b1_ref, w2_ref, b2_ref, ws_ref,
              out_ref):
    j = pl.program_id(0)

    @pl.when(va_ref[j] == 1)
    def _():
        xs = xs_ref[...].astype(jnp.bfloat16)
        h = lax.dot_general(xs, w1_ref[0], (((1,), (1,)), ((), ())),
                            preferred_element_type=jnp.float32)
        h = h + b1_ref[0]
        h = 0.5 * h * (1.0 + lax.erf(h * 0.7071067811865476))
        y = lax.dot_general(h.astype(jnp.bfloat16), w2_ref[0],
                            (((1,), (1,)), ((), ())),
                            preferred_element_type=jnp.float32)
        out_ref[...] = (y + b2_ref[0]) * ws_ref[...]


def _ffn(xs, W1, b1, W2, b2, w_slot, tile_expert, tile_valid):
    grid_spec = pltpu.PrefetchScalarGridSpec(
        num_scalar_prefetch=2,
        grid=(MAXT,),
        in_specs=[
            pl.BlockSpec((BT, HIDDEN), lambda j, te, va: (j, 0)),
            pl.BlockSpec((1, FFN, HIDDEN), lambda j, te, va: (te[j], 0, 0)),
            pl.BlockSpec((1, 1, FFN), lambda j, te, va: (te[j], 0, 0)),
            pl.BlockSpec((1, HIDDEN, FFN), lambda j, te, va: (te[j], 0, 0)),
            pl.BlockSpec((1, 1, HIDDEN), lambda j, te, va: (te[j], 0, 0)),
            pl.BlockSpec((BT, 1), lambda j, te, va: (j, 0)),
        ],
        out_specs=pl.BlockSpec((BT, HIDDEN), lambda j, te, va: (j, 0)),
    )
    return pl.pallas_call(
        _ffn_body,
        grid_spec=grid_spec,
        out_shape=jax.ShapeDtypeStruct((P, HIDDEN), jnp.float32),
        compiler_params=pltpu.CompilerParams(
            vmem_limit_bytes=110 * 1024 * 1024,
            dimension_semantics=("arbitrary",),
        ),
    )(tile_expert, tile_valid, xs, W1.astype(jnp.bfloat16),
      b1.reshape(NE, 1, FFN), W2.astype(jnp.bfloat16),
      b2.reshape(NE, 1, HIDDEN), w_slot.reshape(P, 1))


CCH = 32


def _sc_combine_body(ys_hbm, s0_hbm, s1_hbm, out_hbm, i0_v, i1_v, r0, r1, sem):
    wid = lax.axis_index("s") * NC + lax.axis_index("c")
    per_w = NTOK // NW
    for c in range(per_w // CCH):
        base = wid * per_w + c * CCH
        pltpu.sync_copy(s0_hbm.at[pl.ds(base, CCH)], i0_v)
        h0 = pltpu.async_copy(ys_hbm.at[i0_v], r0, sem)
        pltpu.sync_copy(s1_hbm.at[pl.ds(base, CCH)], i1_v)
        h1 = pltpu.async_copy(ys_hbm.at[i1_v], r1, sem)
        h0.wait()
        h1.wait()

        def body(i, carry):
            t = i // (HIDDEN // 16)
            off = (i % (HIDDEN // 16)) * 16
            a = r0[t, pl.ds(off, 16)]
            b = r1[t, pl.ds(off, 16)]
            r0[t, pl.ds(off, 16)] = a + b
            return carry

        lax.fori_loop(0, CCH * (HIDDEN // 16), body, 0)
        pltpu.sync_copy(r0, out_hbm.at[pl.ds(base, CCH)])


def _sc_combine(ys, s0, s1):
    mesh = plsc.VectorSubcoreMesh(core_axis_name="c", subcore_axis_name="s")
    return pl.kernel(
        _sc_combine_body,
        mesh=mesh,
        out_type=jax.ShapeDtypeStruct((NTOK, HIDDEN), jnp.float32),
        scratch_types=[
            pltpu.VMEM((CCH,), jnp.int32),
            pltpu.VMEM((CCH,), jnp.int32),
            pltpu.VMEM((CCH, HIDDEN), jnp.float32),
            pltpu.VMEM((CCH, HIDDEN), jnp.float32),
            pltpu.SemaphoreType.DMA,
        ],
    )(ys, s0, s1)


def kernel(x, Wr, W1, b1, W2, b2):
    Bn, Sn, Dn = x.shape
    xf = x.reshape(Bn * Sn, Dn)
    i0, i1, w0, w1 = _router(xf, Wr)
    w_slot, s0, s1, tile_expert, tile_valid = _dispatch(i0, i1, w0, w1)
    xs = _sc_scatter(xf, s0, s1)
    ys = _ffn(xs, W1, b1, W2, b2, w_slot, tile_expert, tile_valid)
    out = _sc_combine(ys, s0, s1)
    return out.reshape(Bn, Sn, Dn)

# --- scband reference (transcript-rebuilt; emitter-appended) ---
"""Pipeline reference for scband-optimized-mo-elayer-86406152061630 (READ-ONLY COPY).

The authoritative reference and input builder live on the scoring server;
editing this copy changes nothing except your own understanding.
"""

import jax, jax.numpy as jnp
import numpy as np

HIDDEN = 1024
FFN = 4096
E = 8
TOPK = 2
B, S = 1, 2048


def setup_inputs(seed: int = 0) -> dict:
    key = jax.random.key(seed)
    ks = jax.random.split(key, 6)
    x = jax.random.normal(ks[0], (B, S, HIDDEN), dtype=jnp.float32)
    Wr = jax.random.normal(ks[1], (E, HIDDEN), dtype=jnp.float32) * 0.02
    W1 = jax.random.normal(ks[2], (E, FFN, HIDDEN), dtype=jnp.float32) * (1.0 / np.sqrt(HIDDEN))
    b1 = jnp.zeros((E, FFN), dtype=jnp.float32)
    W2 = jax.random.normal(ks[3], (E, HIDDEN, FFN), dtype=jnp.float32) * (1.0 / np.sqrt(FFN))
    b2 = jnp.zeros((E, HIDDEN), dtype=jnp.float32)
    return {"x": x, "Wr": Wr, "W1": W1, "b1": b1, "W2": W2, "b2": b2}


def reference(x, Wr, W1, b1, W2, b2):
    Bn, Sn, Dn = x.shape
    xf = x.reshape(Bn * Sn, Dn)
    # router (Linear without bias): logits = x @ Wr.T
    logits = xf @ Wr.T
    probs = jax.nn.softmax(logits, axis=-1)
    topk_p, topk_i = jax.lax.top_k(probs, TOPK)
    topk_p = topk_p / jnp.sum(topk_p, axis=-1, keepdims=True)
    # standard routing (tile_size=None): per-token per-expert combine weights
    gate = jnp.sum(jax.nn.one_hot(topk_i, E, dtype=xf.dtype) * topk_p[..., None], axis=1)  # [N, E]
    out = jnp.zeros_like(xf)
    for e in range(E):
        h = jax.nn.gelu(xf @ W1[e].T + b1[e], approximate=False)
        y = h @ W2[e].T + b2[e]
        out = out + gate[:, e:e + 1] * y
    return out.reshape(Bn, Sn, Dn)

if __name__ == "__main__":
    import jax
    _d = setup_inputs()
    print(jax.jit(kernel)(*tuple(_d.values())))

</pallas_src>

<mosaic_0001>
#map = affine_map<(d0, d1) -> (0, 0)>
module attributes {stable_mosaic.version = 14 : i64} {
  func.func @_sc_scatter_body(%arg0: i32, %arg1: i32, %arg2: memref<2048x1024xf32, #tpu.memory_space<hbm>>, %arg3: memref<32x64xi32, #tpu.memory_space<hbm>>, %arg4: memref<32x64xi32, #tpu.memory_space<hbm>>, %arg5: memref<7680x1024xf32, #tpu.memory_space<hbm>>, %arg6: memref<64xi32, #tpu.memory_space<vmem>>, %arg7: memref<64xi32, #tpu.memory_space<vmem>>, %arg8: memref<64x1024xf32, #tpu.memory_space<vmem>>, %arg9: memref<!tpu.dma_semaphore, #tpu.memory_space<semaphore_mem>>, %arg10: memref<!tpu.dma_semaphore, #tpu.memory_space<semaphore_mem>>) attributes {dimension_semantics = [#tpu.dimension_semantics<core_parallel>, #tpu.dimension_semantics<subcore_parallel>], iteration_bounds = array<i64: 2, 16>, scalar_prefetch = 0 : i64, scratch_operands = 5 : i64, tpu.core_type = #tpu.core_type<sc_vector_subcore>, window_params = [{transform_indices = #map}, {transform_indices = #map}, {transform_indices = #map}, {transform_indices = #map}]} {
    %mul3A = arith.constant 2 : i32
    %mul3A_0 = arith.muli %arg1, %mul3A : i32
    %add3A = arith.addi %mul3A_0, %arg0 : i32
    %mul3A_1 = arith.constant 64 : i32
    %mul3A_2 = arith.muli %add3A, %mul3A_1 : i32
    "tpu.region"() ({
      %run_scoped3A = tpu.sem_alloc : memref<!tpu.dma_semaphore, #tpu.memory_space<semaphore_mem>>
      %dma_start3A_13 = arith.constant 0 : i32
      %dma_start3A_14 = tpu.memref_slice %arg2[%mul3A_2, %dma_start3A_13] : memref<2048x1024xf32, #tpu.memory_space<hbm>> -> memref<64x1024xf32, #tpu.memory_space<hbm>>
      %dma_start3A_15 = arith.constant 0 : i32
      %dma_start3A_16 = tpu.memref_slice %arg2[%mul3A_2, %dma_start3A_15] : memref<2048x1024xf32, #tpu.memory_space<hbm>> -> memref<64x1024xf32, #tpu.memory_space<hbm>>
      tpu.enqueue_dma source(%dma_start3A_16 : memref<64x1024xf32, #tpu.memory_space<hbm>>) target(%arg8 : memref<64x1024xf32, #tpu.memory_space<vmem>>) target_semaphore(%run_scoped3A : memref<!tpu.dma_semaphore, #tpu.memory_space<semaphore_mem>>)
      %dma_wait3A_17 = arith.constant 0 : i32
      %dma_wait3A_18 = tpu.memref_slice %arg2[%mul3A_2, %dma_wait3A_17] : memref<2048x1024xf32, #tpu.memory_space<hbm>> -> memref<64x1024xf32, #tpu.memory_space<hbm>>
      %dma_wait3A_19 = arith.constant 0 : i32
      %dma_wait3A_20 = tpu.memref_slice %arg2[%mul3A_2, %dma_wait3A_19] : memref<2048x1024xf32, #tpu.memory_space<hbm>> -> memref<64x1024xf32, #tpu.memory_space<hbm>>
      tpu.wait_dma2 semaphore(%run_scoped3A : memref<!tpu.dma_semaphore, #tpu.memory_space<semaphore_mem>>) src(%dma_wait3A_20 : memref<64x1024xf32, #tpu.memory_space<hbm>>) dst(%arg8 : memref<64x1024xf32, #tpu.memory_space<vmem>>)
      tpu.yield
    }) : () -> ()
    "tpu.region"() ({
      %run_scoped3A = tpu.sem_alloc : memref<!tpu.dma_semaphore, #tpu.memory_space<semaphore_mem>>
      %dma_start3A_13 = arith.constant 0 : i32
      %dma_start3A_14 = tpu.memref_slice %arg3[%add3A, %dma_start3A_13] : memref<32x64xi32, #tpu.memory_space<hbm>> -> memref<1x64xi32, #tpu.memory_space<hbm>>
      %dma_start3A_15 = tpu.memref_squeeze %dma_start3A_14 : memref<1x64xi32, #tpu.memory_space<hbm>> -> memref<64xi32, #tpu.memory_space<hbm>>
      %dma_start3A_16 = arith.constant 0 : i32
      %dma_start3A_17 = tpu.memref_slice %arg3[%add3A, %dma_start3A_16] : memref<32x64xi32, #tpu.memory_space<hbm>> -> memref<1x64xi32, #tpu.memory_space<hbm>>
      %dma_start3A_18 = tpu.memref_squeeze %dma_start3A_17 : memref<1x64xi32, #tpu.memory_space<hbm>> -> memref<64xi32, #tpu.memory_space<hbm>>
      tpu.enqueue_dma source(%dma_start3A_18 : memref<64xi32, #tpu.memory_space<hbm>>) target(%arg6 : memref<64xi32, #tpu.memory_space<vmem>>) target_semaphore(%run_scoped3A : memref<!tpu.dma_semaphore, #tpu.memory_space<semaphore_mem>>)
      %dma_wait3A_19 = arith.constant 0 : i32
      %dma_wait3A_20 = tpu.memref_slice %arg3[%add3A, %dma_wait3A_19] : memref<32x64xi32, #tpu.memory_space<hbm>> -> memref<1x64xi32, #tpu.memory_space<hbm>>
      %dma_wait3A_21 = tpu.memref_squeeze %dma_wait3A_20 : memref<1x64xi32, #tpu.memory_space<hbm>> -> memref<64xi32, #tpu.memory_space<hbm>>
      %dma_wait3A_22 = arith.constant 0 : i32
      %dma_wait3A_23 = tpu.memref_slice %arg3[%add3A, %dma_wait3A_22] : memref<32x64xi32, #tpu.memory_space<hbm>> -> memref<1x64xi32, #tpu.memory_space<hbm>>
      %dma_wait3A_24 = tpu.memref_squeeze %dma_wait3A_23 : memref<1x64xi32, #tpu.memory_space<hbm>> -> memref<64xi32, #tpu.memory_space<hbm>>
      tpu.wait_dma2 semaphore(%run_scoped3A : memref<!tpu.dma_semaphore, #tpu.memory_space<semaphore_mem>>) src(%dma_wait3A_24 : memref<64xi32, #tpu.memory_space<hbm>>) dst(%arg6 : memref<64xi32, #tpu.memory_space<vmem>>)
      tpu.yield
    }) : () -> ()
    "tpu.region"() ({
      %run_scoped3A = tpu.sem_alloc : memref<!tpu.dma_semaphore, #tpu.memory_space<semaphore_mem>>
      %dma_start3A_13 = arith.constant 0 : i32
      %dma_start3A_14 = tpu.memref_slice %arg4[%add3A, %dma_start3A_13] : memref<32x64xi32, #tpu.memory_space<hbm>> -> memref<1x64xi32, #tpu.memory_space<hbm>>
      %dma_start3A_15 = tpu.memref_squeeze %dma_start3A_14 : memref<1x64xi32, #tpu.memory_space<hbm>> -> memref<64xi32, #tpu.memory_space<hbm>>
      %dma_start3A_16 = arith.constant 0 : i32
      %dma_start3A_17 = tpu.memref_slice %arg4[%add3A, %dma_start3A_16] : memref<32x64xi32, #tpu.memory_space<hbm>> -> memref<1x64xi32, #tpu.memory_space<hbm>>
      %dma_start3A_18 = tpu.memref_squeeze %dma_start3A_17 : memref<1x64xi32, #tpu.memory_space<hbm>> -> memref<64xi32, #tpu.memory_space<hbm>>
      tpu.enqueue_dma source(%dma_start3A_18 : memref<64xi32, #tpu.memory_space<hbm>>) target(%arg7 : memref<64xi32, #tpu.memory_space<vmem>>) target_semaphore(%run_scoped3A : memref<!tpu.dma_semaphore, #tpu.memory_space<semaphore_mem>>)
      %dma_wait3A_19 = arith.constant 0 : i32
      %dma_wait3A_20 = tpu.memref_slice %arg4[%add3A, %dma_wait3A_19] : memref<32x64xi32, #tpu.memory_space<hbm>> -> memref<1x64xi32, #tpu.memory_space<hbm>>
      %dma_wait3A_21 = tpu.memref_squeeze %dma_wait3A_20 : memref<1x64xi32, #tpu.memory_space<hbm>> -> memref<64xi32, #tpu.memory_space<hbm>>
      %dma_wait3A_22 = arith.constant 0 : i32
      %dma_wait3A_23 = tpu.memref_slice %arg4[%add3A, %dma_wait3A_22] : memref<32x64xi32, #tpu.memory_space<hbm>> -> memref<1x64xi32, #tpu.memory_space<hbm>>
      %dma_wait3A_24 = tpu.memref_squeeze %dma_wait3A_23 : memref<1x64xi32, #tpu.memory_space<hbm>> -> memref<64xi32, #tpu.memory_space<hbm>>
      tpu.wait_dma2 semaphore(%run_scoped3A : memref<!tpu.dma_semaphore, #tpu.memory_space<semaphore_mem>>) src(%dma_wait3A_24 : memref<64xi32, #tpu.memory_space<hbm>>) dst(%arg7 : memref<64xi32, #tpu.memory_space<vmem>>)
      tpu.yield
    }) : () -> ()
    %dma_start3A = arith.constant 0 : i32
    %dma_start3A_3 = arith.constant 0 : i32
    %dma_start3A_4 = tpu.memref_slice %arg5[%dma_start3A, %dma_start3A_3] : memref<7680x1024xf32, #tpu.memory_space<hbm>> -> memref<7680x1024xf32, #tpu.memory_space<hbm>>
    tpu.enqueue_indirect_dma source(%arg8 : memref<64x1024xf32, #tpu.memory_space<vmem>>) target(%dma_start3A_4 : memref<7680x1024xf32, #tpu.memory_space<hbm>>) offsets(%arg6 : memref<64xi32, #tpu.memory_space<vmem>>) semaphore(%arg9 : memref<!tpu.dma_semaphore, #tpu.memory_space<semaphore_mem>>)
    %dma_start3A_5 = arith.constant 0 : i32
    %dma_start3A_6 = arith.constant 0 : i32
    %dma_start3A_7 = tpu.memref_slice %arg5[%dma_start3A_5, %dma_start3A_6] : memref<7680x1024xf32, #tpu.memory_space<hbm>> -> memref<7680x1024xf32, #tpu.memory_space<hbm>>
    tpu.enqueue_indirect_dma source(%arg8 : memref<64x1024xf32, #tpu.memory_space<vmem>>) target(%dma_start3A_7 : memref<7680x1024xf32, #tpu.memory_space<hbm>>) offsets(%arg7 : memref<64xi32, #tpu.memory_space<vmem>>) semaphore(%arg10 : memref<!tpu.dma_semaphore, #tpu.memory_space<semaphore_mem>>)
    %dma_wait3A = arith.constant 0 : i32
    %dma_wait3A_8 = arith.constant 0 : i32
    %dma_wait3A_9 = tpu.memref_slice %arg5[%dma_wait3A, %dma_wait3A_8] : memref<7680x1024xf32, #tpu.memory_space<hbm>> -> memref<7680x1024xf32, #tpu.memory_space<hbm>>
    tpu.wait_indirect_dma semaphore(%arg9 : memref<!tpu.dma_semaphore, #tpu.memory_space<semaphore_mem>>) src(%arg8 : memref<64x1024xf32, #tpu.memory_space<vmem>>) dst(%dma_wait3A_9 : memref<7680x1024xf32, #tpu.memory_space<hbm>>)
    %dma_wait3A_10 = arith.constant 0 : i32
    %dma_wait3A_11 = arith.constant 0 : i32
    %dma_wait3A_12 = tpu.memref_slice %arg5[%dma_wait3A_10, %dma_wait3A_11] : memref<7680x1024xf32, #tpu.memory_space<hbm>> -> memref<7680x1024xf32, #tpu.memory_space<hbm>>
    tpu.wait_indirect_dma semaphore(%arg10 : memref<!tpu.dma_semaphore, #tpu.memory_space<semaphore_mem>>) src(%arg8 : memref<64x1024xf32, #tpu.memory_space<vmem>>) dst(%dma_wait3A_12 : memref<7680x1024xf32, #tpu.memory_space<hbm>>)
    return
  }
}

#map = affine_map<(d0, d1) -> (0, 0)>
#map1 = affine_map<(d0, d1) -> (0)>
module attributes {stable_mosaic.version = 14 : i64} {
  func.func @_sc_combine_body(%arg0: i32, %arg1: i32, %arg2: memref<7680x1024xf32, #tpu.memory_space<hbm>>, %arg3: memref<2048xi32, #tpu.memory_space<hbm>>, %arg4: memref<2048xi32, #tpu.memory_space<hbm>>, %arg5: memref<2048x1024xf32, #tpu.memory_space<hbm>>, %arg6: memref<32xi32, #tpu.memory_space<vmem>>, %arg7: memref<32xi32, #tpu.memory_space<vmem>>, %arg8: memref<32x1024xf32, #tpu.memory_space<vmem>>, %arg9: memref<32x1024xf32, #tpu.memory_space<vmem>>, %arg10: memref<!tpu.dma_semaphore, #tpu.memory_space<semaphore_mem>>) attributes {dimension_semantics = [#tpu.dimension_semantics<core_parallel>, #tpu.dimension_semantics<subcore_parallel>], iteration_bounds = array<i64: 2, 16>, scalar_prefetch = 0 : i64, scratch_operands = 5 : i64, tpu.core_type = #tpu.core_type<sc_vector_subcore>, window_params = [{transform_indices = #map}, {transform_indices = #map1}, {transform_indices = #map1}, {transform_indices = #map}]} {
    %mul3A = arith.constant 2 : i32
    %mul3A_0 = arith.muli %arg1, %mul3A : i32
    %add3A = arith.addi %mul3A_0, %arg0 : i32
    %mul3A_1 = arith.constant 64 : i32
    %mul3A_2 = arith.muli %add3A, %mul3A_1 : i32
    %add3A_3 = arith.constant 0 : i32
    %add3A_4 = arith.addi %mul3A_2, %add3A_3 : i32
    "tpu.region"() ({
      %run_scoped3A = tpu.sem_alloc : memref<!tpu.dma_semaphore, #tpu.memory_space<semaphore_mem>>
      %dma_start3A_42 = tpu.memref_slice %arg3[%add3A_4] : memref<2048xi32, #tpu.memory_space<hbm>> -> memref<32xi32, #tpu.memory_space<hbm>>
      %dma_start3A_43 = tpu.memref_slice %arg3[%add3A_4] : memref<2048xi32, #tpu.memory_space<hbm>> -> memref<32xi32, #tpu.memory_space<hbm>>
      tpu.enqueue_dma source(%dma_start3A_43 : memref<32xi32, #tpu.memory_space<hbm>>) target(%arg6 : memref<32xi32, #tpu.memory_space<vmem>>) target_semaphore(%run_scoped3A : memref<!tpu.dma_semaphore, #tpu.memory_space<semaphore_mem>>)
      %dma_wait3A_44 = tpu.memref_slice %arg3[%add3A_4] : memref<2048xi32, #tpu.memory_space<hbm>> -> memref<32xi32, #tpu.memory_space<hbm>>
      %dma_wait3A_45 = tpu.memref_slice %arg3[%add3A_4] : memref<2048xi32, #tpu.memory_space<hbm>> -> memref<32xi32, #tpu.memory_space<hbm>>
      tpu.wait_dma2 semaphore(%run_scoped3A : memref<!tpu.dma_semaphore, #tpu.memory_space<semaphore_mem>>) src(%dma_wait3A_45 : memref<32xi32, #tpu.memory_space<hbm>>) dst(%arg6 : memref<32xi32, #tpu.memory_space<vmem>>)
      tpu.yield
    }) : () -> ()
    %dma_start3A = arith.constant 0 : i32
    %dma_start3A_5 = arith.constant 0 : i32
    %dma_start3A_6 = tpu.memref_slice %arg2[%dma_start3A, %dma_start3A_5] : memref<7680x1024xf32, #tpu.memory_space<hbm>> -> memref<7680x1024xf32, #tpu.memory_space<hbm>>
    tpu.enqueue_indirect_dma source(%dma_start3A_6 : memref<7680x1024xf32, #tpu.memory_space<hbm>>) target(%arg8 : memref<32x1024xf32, #tpu.memory_space<vmem>>) offsets(%arg6 : memref<32xi32, #tpu.memory_space<vmem>>) semaphore(%arg10 : memref<!tpu.dma_semaphore, #tpu.memory_space<semaphore_mem>>)
    "tpu.region"() ({
      %run_scoped3A = tpu.sem_alloc : memref<!tpu.dma_semaphore, #tpu.memory_space<semaphore_mem>>
      %dma_start3A_42 = tpu.memref_slice %arg4[%add3A_4] : memref<2048xi32, #tpu.memory_space<hbm>> -> memref<32xi32, #tpu.memory_space<hbm>>
      %dma_start3A_43 = tpu.memref_slice %arg4[%add3A_4] : memref<2048xi32, #tpu.memory_space<hbm>> -> memref<32xi32, #tpu.memory_space<hbm>>
      tpu.enqueue_dma source(%dma_start3A_43 : memref<32xi32, #tpu.memory_space<hbm>>) target(%arg7 : memref<32xi32, #tpu.memory_space<vmem>>) target_semaphore(%run_scoped3A : memref<!tpu.dma_semaphore, #tpu.memory_space<semaphore_mem>>)
      %dma_wait3A_44 = tpu.memref_slice %arg4[%add3A_4] : memref<2048xi32, #tpu.memory_space<hbm>> -> memref<32xi32, #tpu.memory_space<hbm>>
      %dma_wait3A_45 = tpu.memref_slice %arg4[%add3A_4] : memref<2048xi32, #tpu.memory_space<hbm>> -> memref<32xi32, #tpu.memory_space<hbm>>
      tpu.wait_dma2 semaphore(%run_scoped3A : memref<!tpu.dma_semaphore, #tpu.memory_space<semaphore_mem>>) src(%dma_wait3A_45 : memref<32xi32, #tpu.memory_space<hbm>>) dst(%arg7 : memref<32xi32, #tpu.memory_space<vmem>>)
      tpu.yield
    }) : () -> ()
    %dma_start3A_7 = arith.constant 0 : i32
    %dma_start3A_8 = arith.constant 0 : i32
    %dma_start3A_9 = tpu.memref_slice %arg2[%dma_start3A_7, %dma_start3A_8] : memref<7680x1024xf32, #tpu.memory_space<hbm>> -> memref<7680x1024xf32, #tpu.memory_space<hbm>>
    tpu.enqueue_indirect_dma source(%dma_start3A_9 : memref<7680x1024xf32, #tpu.memory_space<hbm>>) target(%arg9 : memref<32x1024xf32, #tpu.memory_space<vmem>>) offsets(%arg7 : memref<32xi32, #tpu.memory_space<vmem>>) semaphore(%arg10 : memref<!tpu.dma_semaphore, #tpu.memory_space<semaphore_mem>>)
    %dma_wait3A = arith.constant 0 : i32
    %dma_wait3A_10 = arith.constant 0 : i32
    %dma_wait3A_11 = tpu.memref_slice %arg2[%dma_wait3A, %dma_wait3A_10] : memref<7680x1024xf32, #tpu.memory_space<hbm>> -> memref<7680x1024xf32, #tpu.memory_space<hbm>>
    tpu.wait_indirect_dma semaphore(%arg10 : memref<!tpu.dma_semaphore, #tpu.memory_space<semaphore_mem>>) src(%dma_wait3A_11 : memref<7680x1024xf32, #tpu.memory_space<hbm>>) dst(%arg8 : memref<32x1024xf32, #tpu.memory_space<vmem>>)
    %dma_wait3A_12 = arith.constant 0 : i32
    %dma_wait3A_13 = arith.constant 0 : i32
    %dma_wait3A_14 = tpu.memref_slice %arg2[%dma_wait3A_12, %dma_wait3A_13] : memref<7680x1024xf32, #tpu.memory_space<hbm>> -> memref<7680x1024xf32, #tpu.memory_space<hbm>>
    tpu.wait_indirect_dma semaphore(%arg10 : memref<!tpu.dma_semaphore, #tpu.memory_space<semaphore_mem>>) src(%dma_wait3A_14 : memref<7680x1024xf32, #tpu.memory_space<hbm>>) dst(%arg9 : memref<32x1024xf32, #tpu.memory_space<vmem>>)
    %scan3A = arith.constant 0 : i32
    %scan3A_15 = arith.constant 0 : i32
    %scan3A_16 = arith.constant 2048 : i32
    %scan3A_17 = arith.addi %scan3A_15, %scan3A_16 : i32
    %scan3A_18 = arith.constant 1 : i32
    scf.for %scan3A_42 = %scan3A_15 to %scan3A_17 step %scan3A_18  : i32 {
      %jit3A = arith.constant 64 : i32
      %div3A = arith.divsi %scan3A_42, %jit3A : i32
      %sign3A = arith.constant 0 : i32
      %sign3A_43 = arith.cmpi sgt, %scan3A_42, %sign3A : i32
      %sign3A_44 = arith.extui %sign3A_43 : i1 to i32
      %sign3A_45 = arith.constant 0 : i32
      %sign3A_46 = arith.cmpi slt, %scan3A_42, %sign3A_45 : i32
      %sign3A_47 = arith.extui %sign3A_46 : i1 to i32
      %sign3A_48 = arith.subi %sign3A_44, %sign3A_47 : i32
      %sign3A_49 = arith.constant 0 : i32
      %sign3A_50 = arith.cmpi sgt, %jit3A, %sign3A_49 : i32
      %sign3A_51 = arith.extui %sign3A_50 : i1 to i32
      %sign3A_52 = arith.constant 0 : i32
      %sign3A_53 = arith.cmpi slt, %jit3A, %sign3A_52 : i32
      %sign3A_54 = arith.extui %sign3A_53 : i1 to i32
      %sign3A_55 = arith.subi %sign3A_51, %sign3A_54 : i32
      %ne3A = arith.cmpi ne, %sign3A_48, %sign3A_55 : i32
      %rem3A = arith.remsi %scan3A_42, %jit3A : i32
      %ne3A_56 = arith.constant 0 : i32
      %ne3A_57 = arith.cmpi ne, %rem3A, %ne3A_56 : i32
      %and3A = arith.andi %ne3A, %ne3A_57 : i1
      %sub3A = arith.constant 1 : i32
      %sub3A_58 = arith.subi %div3A, %sub3A : i32
      %select_n3A = arith.select %and3A, %sub3A_58, %div3A : i32
      %jit3A_59 = arith.constant 64 : i32
      %eq3A = arith.constant 0 : i32
      %eq3A_60 = arith.cmpi eq, %jit3A_59, %eq3A : i32
      %jit3A_61 = arith.constant 1 : i32
      %select_n3A_62 = arith.select %eq3A_60, %jit3A_61, %jit3A_59 : i32
      %rem3A_63 = arith.remsi %scan3A_42, %select_n3A_62 : i32
      %ne3A_64 = arith.constant 0 : i32
      %ne3A_65 = arith.cmpi ne, %rem3A_63, %ne3A_64 : i32
      %lt3A = arith.constant 0 : i32
      %lt3A_66 = arith.cmpi slt, %rem3A_63, %lt3A : i32
      %lt3A_67 = arith.constant 0 : i32
      %lt3A_68 = arith.cmpi slt, %select_n3A_62, %lt3A_67 : i32
      %ne3A_69 = arith.xori %lt3A_66, %lt3A_68 : i1
      %and3A_70 = arith.andi %ne3A_69, %ne3A_65 : i1
      %add3A_71 = arith.addi %rem3A_63, %select_n3A_62 : i32
      %select_n3A_72 = arith.select %and3A_70, %add3A_71, %rem3A_63 : i32
      %mul3A_73 = arith.constant 16 : i32
      %mul3A_74 = arith.muli %select_n3A_72, %mul3A_73 : i32
      %get3A = arith.index_cast %select_n3A : i32 to index
      %get3A_75 = arith.index_cast %mul3A_74 : i32 to index
      %get3A_76 = tpu.vector_load %arg8[%get3A, %get3A_75] {strides = array<i32>} : memref<32x1024xf32, #tpu.memory_space<vmem>>, vector<1x16xf32>,
      %get3A_77 = vector.shape_cast %get3A_76 : vector<1x16xf32> to vector<16xf32>
      %get3A_78 = arith.index_cast %select_n3A : i32 to index
      %get3A_79 = arith.index_cast %mul3A_74 : i32 to index
      %get3A_80 = tpu.vector_load %arg9[%get3A_78, %get3A_79] {strides = array<i32>} : memref<32x1024xf32, #tpu.memory_space<vmem>>, vector<1x16xf32>,
      %get3A_81 = vector.shape_cast %get3A_80 : vector<1x16xf32> to vector<16xf32>
      %add3A_82 = arith.addf %get3A_77, %get3A_81 : vector<16xf32>
      %swap3A = arith.index_cast %select_n3A : i32 to index
      %swap3A_83 = arith.index_cast %mul3A_74 : i32 to index
      %swap3A_84 = tpu.vector_load %arg8[%swap3A, %swap3A_83] {strides = array<i32>} : memref<32x1024xf32, #tpu.memory_space<vmem>>, vector<1x16xf32>,
      %swap3A_85 = vector.shape_cast %swap3A_84 : vector<1x16xf32> to vector<16xf32>
      %swap3A_86 = vector.shape_cast %add3A_82 : vector<16xf32> to vector<1x16xf32>
      tpu.vector_store %arg8[%swap3A, %swap3A_83], %swap3A_86 {strides = array<i32>} : memref<32x1024xf32, #tpu.memory_space<vmem>>, vector<1x16xf32>,
    }
    %scan3A_19 = arith.constant 2048 : i32
    "tpu.region"() ({
      %run_scoped3A = tpu.sem_alloc : memref<!tpu.dma_semaphore, #tpu.memory_space<semaphore_mem>>
      %dma_start3A_42 = arith.constant 0 : i32
      %dma_start3A_43 = tpu.memref_slice %arg5[%add3A_4, %dma_start3A_42] : memref<2048x1024xf32, #tpu.memory_space<hbm>> -> memref<32x1024xf32, #tpu.memory_space<hbm>>
      %dma_start3A_44 = arith.constant 0 : i32
      %dma_start3A_45 = tpu.memref_slice %arg5[%add3A_4, %dma_start3A_44] : memref<2048x1024xf32, #tpu.memory_space<hbm>> -> memref<32x1024xf32, #tpu.memory_space<hbm>>
      tpu.enqueue_dma source(%arg8 : memref<32x1024xf32, #tpu.memory_space<vmem>>) target(%dma_start3A_45 : memref<32x1024xf32, #tpu.memory_space<hbm>>) target_semaphore(%run_scoped3A : memref<!tpu.dma_semaphore, #tpu.memory_space<semaphore_mem>>)
      %dma_wait3A_46 = arith.constant 0 : i32
      %dma_wait3A_47 = tpu.memref_slice %arg5[%add3A_4, %dma_wait3A_46] : memref<2048x1024xf32, #tpu.memory_space<hbm>> -> memref<32x1024xf32, #tpu.memory_space<hbm>>
      %dma_wait3A_48 = arith.constant 0 : i32
      %dma_wait3A_49 = tpu.memref_slice %arg5[%add3A_4, %dma_wait3A_48] : memref<2048x1024xf32, #tpu.memory_space<hbm>> -> memref<32x1024xf32, #tpu.memory_space<hbm>>
      tpu.wait_dma2 semaphore(%run_scoped3A : memref<!tpu.dma_semaphore, #tpu.memory_space<semaphore_mem>>) src(%arg8 : memref<32x1024xf32, #tpu.memory_space<vmem>>) dst(%dma_wait3A_49 : memref<32x1024xf32, #tpu.memory_space<hbm>>)
      tpu.yield
    }) : () -> ()
    %mul3A_20 = arith.constant 64 : i32
    %mul3A_21 = arith.muli %add3A, %mul3A_20 : i32
    %add3A_22 = arith.constant 32 : i32
    %add3A_23 = arith.addi %mul3A_21, %add3A_22 : i32
    "tpu.region"() ({
      %run_scoped3A = tpu.sem_alloc : memref<!tpu.dma_semaphore, #tpu.memory_space<semaphore_mem>>
      %dma_start3A_42 = tpu.memref_slice %arg3[%add3A_23] : memref<2048xi32, #tpu.memory_space<hbm>> -> memref<32xi32, #tpu.memory_space<hbm>>
      %dma_start3A_43 = tpu.memref_slice %arg3[%add3A_23] : memref<2048xi32, #tpu.memory_space<hbm>> -> memref<32xi32, #tpu.memory_space<hbm>>
      tpu.enqueue_dma source(%dma_start3A_43 : memref<32xi32, #tpu.memory_space<hbm>>) target(%arg6 : memref<32xi32, #tpu.memory_space<vmem>>) target_semaphore(%run_scoped3A : memref<!tpu.dma_semaphore, #tpu.memory_space<semaphore_mem>>)
      %dma_wait3A_44 = tpu.memref_slice %arg3[%add3A_23] : memref<2048xi32, #tpu.memory_space<hbm>> -> memref<32xi32, #tpu.memory_space<hbm>>
      %dma_wait3A_45 = tpu.memref_slice %arg3[%add3A_23] : memref<2048xi32, #tpu.memory_space<hbm>> -> memref<32xi32, #tpu.memory_space<hbm>>
      tpu.wait_dma2 semaphore(%run_scoped3A : memref<!tpu.dma_semaphore, #tpu.memory_space<semaphore_mem>>) src(%dma_wait3A_45 : memref<32xi32, #tpu.memory_space<hbm>>) dst(%arg6 : memref<32xi32, #tpu.memory_space<vmem>>)
      tpu.yield
    }) : () -> ()
    %dma_start3A_24 = arith.constant 0 : i32
    %dma_start3A_25 = arith.constant 0 : i32
    %dma_start3A_26 = tpu.memref_slice %arg2[%dma_start3A_24, %dma_start3A_25] : memref<7680x1024xf32, #tpu.memory_space<hbm>> -> memref<7680x1024xf32, #tpu.memory_space<hbm>>
    tpu.enqueue_indirect_dma source(%dma_start3A_26 : memref<7680x1024xf32, #tpu.memory_space<hbm>>) target(%arg8 : memref<32x1024xf32, #tpu.memory_space<vmem>>) offsets(%arg6 : memref<32xi32, #tpu.memory_space<vmem>>) semaphore(%arg10 : memref<!tpu.dma_semaphore, #tpu.memory_space<semaphore_mem>>)
    "tpu.region"() ({
      %run_scoped3A = tpu.sem_alloc : memref<!tpu.dma_semaphore, #tpu.memory_space<semaphore_mem>>
      %dma_start3A_42 = tpu.memref_slice %arg4[%add3A_23] : memref<2048xi32, #tpu.memory_space<hbm>> -> memref<32xi32, #tpu.memory_space<hbm>>
      %dma_start3A_43 = tpu.memref_slice %arg4[%add3A_23] : memref<2048xi32, #tpu.memory_space<hbm>> -> memref<32xi32, #tpu.memory_space<hbm>>
      tpu.enqueue_dma source(%dma_start3A_43 : memref<32xi32, #tpu.memory_space<hbm>>) target(%arg7 : memref<32xi32, #tpu.memory_space<vmem>>) target_semaphore(%run_scoped3A : memref<!tpu.dma_semaphore, #tpu.memory_space<semaphore_mem>>)
      %dma_wait3A_44 = tpu.memref_slice %arg4[%add3A_23] : memref<2048xi32, #tpu.memory_space<hbm>> -> memref<32xi32, #tpu.memory_space<hbm>>
      %dma_wait3A_45 = tpu.memref_slice %arg4[%add3A_23] : memref<2048xi32, #tpu.memory_space<hbm>> -> memref<32xi32, #tpu.memory_space<hbm>>
      tpu.wait_dma2 semaphore(%run_scoped3A : memref<!tpu.dma_semaphore, #tpu.memory_space<semaphore_mem>>) src(%dma_wait3A_45 : memref<32xi32, #tpu.memory_space<hbm>>) dst(%arg7 : memref<32xi32, #tpu.memory_space<vmem>>)
      tpu.yield
    }) : () -> ()
    %dma_start3A_27 = arith.constant 0 : i32
    %dma_start3A_28 = arith.constant 0 : i32
    %dma_start3A_29 = tpu.memref_slice %arg2[%dma_start3A_27, %dma_start3A_28] : memref<7680x1024xf32, #tpu.memory_space<hbm>> -> memref<7680x1024xf32, #tpu.memory_space<hbm>>
    tpu.enqueue_indirect_dma source(%dma_start3A_29 : memref<7680x1024xf32, #tpu.memory_space<hbm>>) target(%arg9 : memref<32x1024xf32, #tpu.memory_space<vmem>>) offsets(%arg7 : memref<32xi32, #tpu.memory_space<vmem>>) semaphore(%arg10 : memref<!tpu.dma_semaphore, #tpu.memory_space<semaphore_mem>>)
    %dma_wait3A_30 = arith.constant 0 : i32
    %dma_wait3A_31 = arith.constant 0 : i32
    %dma_wait3A_32 = tpu.memref_slice %arg2[%dma_wait3A_30, %dma_wait3A_31] : memref<7680x1024xf32, #tpu.memory_space<hbm>> -> memref<7680x1024xf32, #tpu.memory_space<hbm>>
    tpu.wait_indirect_dma semaphore(%arg10 : memref<!tpu.dma_semaphore, #tpu.memory_space<semaphore_mem>>) src(%dma_wait3A_32 : memref<7680x1024xf32, #tpu.memory_space<hbm>>) dst(%arg8 : memref<32x1024xf32, #tpu.memory_space<vmem>>)
    %dma_wait3A_33 = arith.constant 0 : i32
    %dma_wait3A_34 = arith.constant 0 : i32
    %dma_wait3A_35 = tpu.memref_slice %arg2[%dma_wait3A_33, %dma_wait3A_34] : memref<7680x1024xf32, #tpu.memory_space<hbm>> -> memref<7680x1024xf32, #tpu.memory_space<hbm>>
    tpu.wait_indirect_dma semaphore(%arg10 : memref<!tpu.dma_semaphore, #tpu.memory_space<semaphore_mem>>) src(%dma_wait3A_35 : memref<7680x1024xf32, #tpu.memory_space<hbm>>) dst(%arg9 : memref<32x1024xf32, #tpu.memory_space<vmem>>)
    %scan3A_36 = arith.constant 0 : i32
    %scan3A_37 = arith.constant 0 : i32
    %scan3A_38 = arith.constant 2048 : i32
    %scan3A_39 = arith.addi %scan3A_37, %scan3A_38 : i32
    %scan3A_40 = arith.constant 1 : i32
    scf.for %scan3A_42 = %scan3A_37 to %scan3A_39 step %scan3A_40  : i32 {
      %jit3A = arith.constant 64 : i32
      %div3A = arith.divsi %scan3A_42, %jit3A : i32
      %sign3A = arith.constant 0 : i32
      %sign3A_43 = arith.cmpi sgt, %scan3A_42, %sign3A : i32
      %sign3A_44 = arith.extui %sign3A_43 : i1 to i32
      %sign3A_45 = arith.constant 0 : i32
      %sign3A_46 = arith.cmpi slt, %scan3A_42, %sign3A_45 : i32
      %sign3A_47 = arith.extui %sign3A_46 : i1 to i32
      %sign3A_48 = arith.subi %sign3A_44, %sign3A_47 : i32
      %sign3A_49 = arith.constant 0 : i32
      %sign3A_50 = arith.cmpi sgt, %jit3A, %sign3A_49 : i32
      %sign3A_51 = arith.extui %sign3A_50 : i1 to i32
      %sign3A_52 = arith.constant 0 : i32
      %sign3A_53 = arith.cmpi slt, %jit3A, %sign3A_52 : i32
      %sign3A_54 = arith.extui %sign3A_53 : i1 to i32
      %sign3A_55 = arith.subi %sign3A_51, %sign3A_54 : i32
      %ne3A = arith.cmpi ne, %sign3A_48, %sign3A_55 : i32
      %rem3A = arith.remsi %scan3A_42, %jit3A : i32
      %ne3A_56 = arith.constant 0 : i32
      %ne3A_57 = arith.cmpi ne, %rem3A, %ne3A_56 : i32
      %and3A = arith.andi %ne3A, %ne3A_57 : i1
      %sub3A = arith.constant 1 : i32
      %sub3A_58 = arith.subi %div3A, %sub3A : i32
      %select_n3A = arith.select %and3A, %sub3A_58, %div3A : i32
      %jit3A_59 = arith.constant 64 : i32
      %eq3A = arith.constant 0 : i32
      %eq3A_60 = arith.cmpi eq, %jit3A_59, %eq3A : i32
      %jit3A_61 = arith.constant 1 : i32
      %select_n3A_62 = arith.select %eq3A_60, %jit3A_61, %jit3A_59 : i32
      %rem3A_63 = arith.remsi %scan3A_42, %select_n3A_62 : i32
      %ne3A_64 = arith.constant 0 : i32
      %ne3A_65 = arith.cmpi ne, %rem3A_63, %ne3A_64 : i32
      %lt3A = arith.constant 0 : i32
      %lt3A_66 = arith.cmpi slt, %rem3A_63, %lt3A : i32
      %lt3A_67 = arith.constant 0 : i32
      %lt3A_68 = arith.cmpi slt, %select_n3A_62, %lt3A_67 : i32
      %ne3A_69 = arith.xori %lt3A_66, %lt3A_68 : i1
      %and3A_70 = arith.andi %ne3A_69, %ne3A_65 : i1
      %add3A_71 = arith.addi %rem3A_63, %select_n3A_62 : i32
      %select_n3A_72 = arith.select %and3A_70, %add3A_71, %rem3A_63 : i32
      %mul3A_73 = arith.constant 16 : i32
      %mul3A_74 = arith.muli %select_n3A_72, %mul3A_73 : i32
      %get3A = arith.index_cast %select_n3A : i32 to index
      %get3A_75 = arith.index_cast %mul3A_74 : i32 to index
      %get3A_76 = tpu.vector_load %arg8[%get3A, %get3A_75] {strides = array<i32>} : memref<32x1024xf32, #tpu.memory_space<vmem>>, vector<1x16xf32>,
      %get3A_77 = vector.shape_cast %get3A_76 : vector<1x16xf32> to vector<16xf32>
      %get3A_78 = arith.index_cast %select_n3A : i32 to index
      %get3A_79 = arith.index_cast %mul3A_74 : i32 to index
      %get3A_80 = tpu.vector_load %arg9[%get3A_78, %get3A_79] {strides = array<i32>} : memref<32x1024xf32, #tpu.memory_space<vmem>>, vector<1x16xf32>,
      %get3A_81 = vector.shape_cast %get3A_80 : vector<1x16xf32> to vector<16xf32>
      %add3A_82 = arith.addf %get3A_77, %get3A_81 : vector<16xf32>
      %swap3A = arith.index_cast %select_n3A : i32 to index
      %swap3A_83 = arith.index_cast %mul3A_74 : i32 to index
      %swap3A_84 = tpu.vector_load %arg8[%swap3A, %swap3A_83] {strides = array<i32>} : memref<32x1024xf32, #tpu.memory_space<vmem>>, vector<1x16xf32>,
      %swap3A_85 = vector.shape_cast %swap3A_84 : vector<1x16xf32> to vector<16xf32>
      %swap3A_86 = vector.shape_cast %add3A_82 : vector<16xf32> to vector<1x16xf32>
      tpu.vector_store %arg8[%swap3A, %swap3A_83], %swap3A_86 {strides = array<i32>} : memref<32x1024xf32, #tpu.memory_space<vmem>>, vector<1x16xf32>,
    }
    %scan3A_41 = arith.constant 2048 : i32
    "tpu.region"() ({
      %run_scoped3A = tpu.sem_alloc : memref<!tpu.dma_semaphore, #tpu.memory_space<semaphore_mem>>
      %dma_start3A_42 = arith.constant 0 : i32
      %dma_start3A_43 = tpu.memref_slice %arg5[%add3A_23, %dma_start3A_42] : memref<2048x1024xf32, #tpu.memory_space<hbm>> -> memref<32x1024xf32, #tpu.memory_space<hbm>>
      %dma_start3A_44 = arith.constant 0 : i32
      %dma_start3A_45 = tpu.memref_slice %arg5[%add3A_23, %dma_start3A_44] : memref<2048x1024xf32, #tpu.memory_space<hbm>> -> memref<32x1024xf32, #tpu.memory_space<hbm>>
      tpu.enqueue_dma source(%arg8 : memref<32x1024xf32, #tpu.memory_space<vmem>>) target(%dma_start3A_45 : memref<32x1024xf32, #tpu.memory_space<hbm>>) target_semaphore(%run_scoped3A : memref<!tpu.dma_semaphore, #tpu.memory_space<semaphore_mem>>)
      %dma_wait3A_46 = arith.constant 0 : i32
      %dma_wait3A_47 = tpu.memref_slice %arg5[%add3A_23, %dma_wait3A_46] : memref<2048x1024xf32, #tpu.memory_space<hbm>> -> memref<32x1024xf32, #tpu.memory_space<hbm>>
      %dma_wait3A_48 = arith.constant 0 : i32
      %dma_wait3A_49 = tpu.memref_slice %arg5[%add3A_23, %dma_wait3A_48] : memref<2048x1024xf32, #tpu.memory_space<hbm>> -> memref<32x1024xf32, #tpu.memory_space<hbm>>
      tpu.wait_dma2 semaphore(%run_scoped3A : memref<!tpu.dma_semaphore, #tpu.memory_space<semaphore_mem>>) src(%arg8 : memref<32x1024xf32, #tpu.memory_space<vmem>>) dst(%dma_wait3A_49 : memref<32x1024xf32, #tpu.memory_space<hbm>>)
      tpu.yield
    }) : () -> ()
    return
  }
}

module attributes {stable_mosaic.version = 14 : i64} {
  func.func @_router_body(%arg0: memref<2048x1024xf32, #tpu.memory_space<vmem>>, %arg1: memref<8x1024xf32, #tpu.memory_space<vmem>>, %arg2: memref<2048x1xi32, #tpu.memory_space<vmem>>, %arg3: memref<2048x1xi32, #tpu.memory_space<vmem>>, %arg4: memref<2048x1xf32, #tpu.memory_space<vmem>>, %arg5: memref<2048x1xf32, #tpu.memory_space<vmem>>) attributes {dimension_semantics = [], scalar_prefetch = 0 : i64, scratch_operands = 0 : i64, tpu.core_type = #tpu.core_type<tc>} {
    %get3A = arith.constant 0 : index
    %get3A_0 = arith.constant 0 : index
    %get3A_1 = vector.load %arg0[%get3A, %get3A_0] : memref<2048x1024xf32, #tpu.memory_space<vmem>>, vector<2048x1024xf32>
    %get3A_2 = arith.constant 0 : index
    %get3A_3 = arith.constant 0 : index
    %get3A_4 = vector.load %arg1[%get3A_2, %get3A_3] : memref<8x1024xf32, #tpu.memory_space<vmem>>, vector<8x1024xf32>
    %dot_general3A = arith.constant dense<0.000000e+00> : vector<2048x8xf32>
    %dot_general3A_5 = tpu.matmul %get3A_1, %get3A_4, %dot_general3A {dimension_numbers = #tpu.dot_dimension_numbers<[1], [1], [0], [0], [0, 0, 1, 0], [], []>, transpose_lhs_hint = false} : vector<2048x1024xf32>, vector<8x1024xf32>, vector<2048x8xf32> -> vector<2048x8xf32>
    %iota3A = tpu.iota {dimensions = array<i32: 1>} : vector<2048x8xi32>
    %reduce_max3A = arith.constant dense<0xFF800000> : vector<2048xf32>
    %reduce_max3A_6 = vector.multi_reduction <maximumf>, %dot_general3A_5, %reduce_max3A [1] : vector<2048x8xf32> to vector<2048xf32>
    %broadcast_in_dim3A = vector.shape_cast %reduce_max3A_6 : vector<2048xf32> to vector<2048x1xf32>
    %eq3A = vector.broadcast %broadcast_in_dim3A : vector<2048x1xf32> to vector<2048x8xf32>
    %eq3A_7 = arith.cmpf oeq, %dot_general3A_5, %eq3A : vector<2048x8xf32>
    %jit3A = arith.constant 8 : i32
    %broadcast_in_dim3A_8 = vector.broadcast %jit3A : i32 to vector<2048x8xi32>
    %select_n3A = arith.select %eq3A_7, %iota3A, %broadcast_in_dim3A_8 : vector<2048x8xi1>, vector<2048x8xi32>
    %reduce_min3A = arith.constant dense<2147483647> : vector<2048xi32>
    %reduce_min3A_9 = vector.multi_reduction <minsi>, %select_n3A, %reduce_min3A [1] : vector<2048x8xi32> to vector<2048xi32>
    %broadcast_in_dim3A_10 = vector.shape_cast %reduce_min3A_9 : vector<2048xi32> to vector<2048x1xi32>
    %eq3A_11 = vector.broadcast %broadcast_in_dim3A_10 : vector<2048x1xi32> to vector<2048x8xi32>
    %eq3A_12 = arith.cmpi eq, %iota3A, %eq3A_11 : vector<2048x8xi32>
    %jit3A_13 = arith.constant 0xFF800000 : f32
    %broadcast_in_dim3A_14 = vector.broadcast %jit3A_13 : f32 to vector<2048x8xf32>
    %select_n3A_15 = arith.select %eq3A_12, %broadcast_in_dim3A_14, %dot_general3A_5 : vector<2048x8xi1>, vector<2048x8xf32>
    %reduce_max3A_16 = arith.constant dense<0xFF800000> : vector<2048xf32>
    %reduce_max3A_17 = vector.multi_reduction <maximumf>, %select_n3A_15, %reduce_max3A_16 [1] : vector<2048x8xf32> to vector<2048xf32>
    %broadcast_in_dim3A_18 = vector.shape_cast %reduce_max3A_17 : vector<2048xf32> to vector<2048x1xf32>
    %eq3A_19 = vector.broadcast %broadcast_in_dim3A_18 : vector<2048x1xf32> to vector<2048x8xf32>
    %eq3A_20 = arith.cmpf oeq, %select_n3A_15, %eq3A_19 : vector<2048x8xf32>
    %jit3A_21 = arith.constant 8 : i32
    %broadcast_in_dim3A_22 = vector.broadcast %jit3A_21 : i32 to vector<2048x8xi32>
    %select_n3A_23 = arith.select %eq3A_20, %iota3A, %broadcast_in_dim3A_22 : vector<2048x8xi1>, vector<2048x8xi32>
    %reduce_min3A_24 = arith.constant dense<2147483647> : vector<2048xi32>
    %reduce_min3A_25 = vector.multi_reduction <minsi>, %select_n3A_23, %reduce_min3A_24 [1] : vector<2048x8xi32> to vector<2048xi32>
    %broadcast_in_dim3A_26 = vector.shape_cast %reduce_min3A_25 : vector<2048xi32> to vector<2048x1xi32>
    %sub3A = arith.subf %broadcast_in_dim3A_18, %broadcast_in_dim3A : vector<2048x1xf32>
    %exp3A = math.exp %sub3A : vector<2048x1xf32>
    %add3A = arith.constant 1.000000e+00 : f32
    %add3A_27 = vector.broadcast %add3A : f32 to vector<2048x1xf32>
    %add3A_28 = arith.addf %add3A_27, %exp3A : vector<2048x1xf32>
    %swap3A = arith.constant 0 : index
    %swap3A_29 = arith.constant 0 : index
    %swap3A_30 = vector.load %arg2[%swap3A, %swap3A_29] : memref<2048x1xi32, #tpu.memory_space<vmem>>, vector<2048x1xi32>
    tpu.vector_store %arg2[%swap3A, %swap3A_29], %broadcast_in_dim3A_10 {strides = array<i32>} : memref<2048x1xi32, #tpu.memory_space<vmem>>, vector<2048x1xi32>,
    %swap3A_31 = arith.constant 0 : index
    %swap3A_32 = arith.constant 0 : index
    %swap3A_33 = vector.load %arg3[%swap3A_31, %swap3A_32] : memref<2048x1xi32, #tpu.memory_space<vmem>>, vector<2048x1xi32>
    tpu.vector_store %arg3[%swap3A_31, %swap3A_32], %broadcast_in_dim3A_26 {strides = array<i32>} : memref<2048x1xi32, #tpu.memory_space<vmem>>, vector<2048x1xi32>,
    %div3A = arith.constant 1.000000e+00 : f32
    %div3A_34 = vector.broadcast %div3A : f32 to vector<2048x1xf32>
    %div3A_35 = arith.divf %div3A_34, %add3A_28 : vector<2048x1xf32>
    %swap3A_36 = arith.constant 0 : index
    %swap3A_37 = arith.constant 0 : index
    %swap3A_38 = vector.load %arg4[%swap3A_36, %swap3A_37] : memref<2048x1xf32, #tpu.memory_space<vmem>>, vector<2048x1xf32>
    tpu.vector_store %arg4[%swap3A_36, %swap3A_37], %div3A_35 {strides = array<i32>} : memref<2048x1xf32, #tpu.memory_space<vmem>>, vector<2048x1xf32>,
    %div3A_39 = arith.divf %exp3A, %add3A_28 : vector<2048x1xf32>
    %swap3A_40 = arith.constant 0 : index
    %swap3A_41 = arith.constant 0 : index
    %swap3A_42 = vector.load %arg5[%swap3A_40, %swap3A_41] : memref<2048x1xf32, #tpu.memory_space<vmem>>, vector<2048x1xf32>
    tpu.vector_store %arg5[%swap3A_40, %swap3A_41], %div3A_39 {strides = array<i32>} : memref<2048x1xf32, #tpu.memory_space<vmem>>, vector<2048x1xf32>,
    return
  }
}

module attributes {stable_mosaic.version = 14 : i64} {
  func.func @_ffn_body(%arg0: i32, %arg1: memref<15xi32, #tpu.memory_space<smem>>, %arg2: memref<15xi32, #tpu.memory_space<smem>>, %arg3: memref<512x1024xf32, #tpu.memory_space<vmem>>, %arg4: memref<1x4096x1024xbf16, #tpu.memory_space<vmem>>, %arg5: memref<1x1x4096xf32, #tpu.memory_space<vmem>>, %arg6: memref<1x1024x4096xbf16, #tpu.memory_space<vmem>>, %arg7: memref<1x1x1024xf32, #tpu.memory_space<vmem>>, %arg8: memref<512x1xf32, #tpu.memory_space<vmem>>, %arg9: memref<512x1024xf32, #tpu.memory_space<vmem>>) attributes {dimension_semantics = [#tpu.dimension_semantics<arbitrary>], iteration_bounds = array<i64: 15>, scalar_prefetch = 2 : i64, scratch_operands = 0 : i64, tpu.core_type = #tpu.core_type<tc>, window_params = [{transform_indices = @transform_0, window_bounds = array<i64: 512, 1024>}, {transform_indices = @transform_1, window_bounds = array<i64: 1, 4096, 1024>}, {transform_indices = @transform_2, window_bounds = array<i64: 1, 1, 4096>}, {transform_indices = @transform_3, window_bounds = array<i64: 1, 1024, 4096>}, {transform_indices = @transform_4, window_bounds = array<i64: 1, 1, 1024>}, {transform_indices = @transform_5, window_bounds = array<i64: 512, 1>}, {transform_indices = @transform_6, window_bounds = array<i64: 512, 1024>}]} {
    %get3A = arith.index_cast %arg0 : i32 to index
    %get3A_0 = memref.load %arg2[%get3A] : memref<15xi32, #tpu.memory_space<smem>>
    %eq3A = arith.constant 1 : i32
    %eq3A_1 = arith.cmpi eq, %get3A_0, %eq3A : i32
    %convert_element_type3A = arith.extui %eq3A_1 : i1 to i32
    %cond3A = arith.constant 0 : i32
    %cond3A_2 = arith.cmpi ne, %convert_element_type3A, %cond3A : i32
    scf.if %cond3A_2 {
      %get3A_3 = arith.constant 0 : index
      %get3A_4 = arith.constant 0 : index
      %get3A_5 = vector.load %arg3[%get3A_3, %get3A_4] : memref<512x1024xf32, #tpu.memory_space<vmem>>, vector<512x1024xf32>
      %convert_element_type3A_6 = arith.truncf %get3A_5 : vector<512x1024xf32> to vector<512x1024xbf16>
      %get3A_7 = arith.constant 0 : index
      %get3A_8 = arith.constant 0 : index
      %get3A_9 = arith.constant 0 : index
      %get3A_10 = vector.load %arg4[%get3A_7, %get3A_8, %get3A_9] : memref<1x4096x1024xbf16, #tpu.memory_space<vmem>>, vector<1x4096x1024xbf16>
      %get3A_11 = vector.shape_cast %get3A_10 : vector<1x4096x1024xbf16> to vector<4096x1024xbf16>
      %dot_general3A = arith.constant dense<0.000000e+00> : vector<512x4096xf32>
      %dot_general3A_12 = tpu.matmul %convert_element_type3A_6, %get3A_11, %dot_general3A {dimension_numbers = #tpu.dot_dimension_numbers<[1], [1], [0], [0], [0, 0, 1, 0], [], []>, transpose_lhs_hint = false} : vector<512x1024xbf16>, vector<4096x1024xbf16>, vector<512x4096xf32> -> vector<512x4096xf32>
      %get3A_13 = arith.constant 0 : index
      %get3A_14 = arith.constant 0 : index
      %get3A_15 = arith.constant 0 : index
      %get3A_16 = vector.load %arg5[%get3A_13, %get3A_14, %get3A_15] : memref<1x1x4096xf32, #tpu.memory_space<vmem>>, vector<1x1x4096xf32>
      %get3A_17 = vector.shape_cast %get3A_16 : vector<1x1x4096xf32> to vector<1x4096xf32>
      %add3A = vector.broadcast %get3A_17 : vector<1x4096xf32> to vector<512x4096xf32>
      %add3A_18 = arith.addf %dot_general3A_12, %add3A : vector<512x4096xf32>
      %mul3A = arith.constant 5.000000e-01 : f32
      %mul3A_19 = vector.broadcast %mul3A : f32 to vector<512x4096xf32>
      %mul3A_20 = arith.mulf %mul3A_19, %add3A_18 : vector<512x4096xf32>
      %mul3A_21 = arith.constant 0.707106769 : f32
      %mul3A_22 = vector.broadcast %mul3A_21 : f32 to vector<512x4096xf32>
      %mul3A_23 = arith.mulf %add3A_18, %mul3A_22 : vector<512x4096xf32>
      %erf3A = math.erf %mul3A_23 : vector<512x4096xf32>
      %add3A_24 = arith.constant 1.000000e+00 : f32
      %add3A_25 = vector.broadcast %add3A_24 : f32 to vector<512x4096xf32>
      %add3A_26 = arith.addf %add3A_25, %erf3A : vector<512x4096xf32>
      %mul3A_27 = arith.mulf %mul3A_20, %add3A_26 : vector<512x4096xf32>
      %convert_element_type3A_28 = arith.truncf %mul3A_27 : vector<512x4096xf32> to vector<512x4096xbf16>
      %get3A_29 = arith.constant 0 : index
      %get3A_30 = arith.constant 0 : index
      %get3A_31 = arith.constant 0 : index
      %get3A_32 = vector.load %arg6[%get3A_29, %get3A_30, %get3A_31] : memref<1x1024x4096xbf16, #tpu.memory_space<vmem>>, vector<1x1024x4096xbf16>
      %get3A_33 = vector.shape_cast %get3A_32 : vector<1x1024x4096xbf16> to vector<1024x4096xbf16>
      %dot_general3A_34 = arith.constant dense<0.000000e+00> : vector<512x1024xf32>
      %dot_general3A_35 = tpu.matmul %convert_element_type3A_28, %get3A_33, %dot_general3A_34 {dimension_numbers = #tpu.dot_dimension_numbers<[1], [1], [0], [0], [0, 0, 1, 0], [], []>, transpose_lhs_hint = false} : vector<512x4096xbf16>, vector<1024x4096xbf16>, vector<512x1024xf32> -> vector<512x1024xf32>
      %get3A_36 = arith.constant 0 : index
      %get3A_37 = arith.constant 0 : index
      %get3A_38 = arith.constant 0 : index
      %get3A_39 = vector.load %arg7[%get3A_36, %get3A_37, %get3A_38] : memref<1x1x1024xf32, #tpu.memory_space<vmem>>, vector<1x1x1024xf32>
      %get3A_40 = vector.shape_cast %get3A_39 : vector<1x1x1024xf32> to vector<1x1024xf32>
      %add3A_41 = vector.broadcast %get3A_40 : vector<1x1024xf32> to vector<512x1024xf32>
      %add3A_42 = arith.addf %dot_general3A_35, %add3A_41 : vector<512x1024xf32>
      %get3A_43 = arith.constant 0 : index
      %get3A_44 = arith.constant 0 : index
      %get3A_45 = vector.load %arg8[%get3A_43, %get3A_44] : memref<512x1xf32, #tpu.memory_space<vmem>>, vector<512x1xf32>
      %mul3A_46 = vector.broadcast %get3A_45 : vector<512x1xf32> to vector<512x1024xf32>
      %mul3A_47 = arith.mulf %add3A_42, %mul3A_46 : vector<512x1024xf32>
      %swap3A = arith.constant 0 : index
      %swap3A_48 = arith.constant 0 : index
      %swap3A_49 = vector.load %arg9[%swap3A, %swap3A_48] : memref<512x1024xf32, #tpu.memory_space<vmem>>, vector<512x1024xf32>
      tpu.vector_store %arg9[%swap3A, %swap3A_48], %mul3A_47 {strides = array<i32>} : memref<512x1024xf32, #tpu.memory_space<vmem>>, vector<512x1024xf32>,
    } else {
    }
    return
  }
  func.func @transform_0(%arg0: i32, %arg1: memref<15xi32, #tpu.memory_space<smem>>, %arg2: memref<15xi32, #tpu.memory_space<smem>>) -> (i32, i32) {
    %c0_i32 = arith.constant 0 : i32
    %c0_i32_0 = arith.constant 0 : i32
    return %arg0, %c0_i32 : i32, i32
  }
  func.func @transform_1(%arg0: i32, %arg1: memref<15xi32, #tpu.memory_space<smem>>, %arg2: memref<15xi32, #tpu.memory_space<smem>>) -> (i32, i32, i32) {
    %get3A = arith.index_cast %arg0 : i32 to index
    %get3A_0 = memref.load %arg1[%get3A] : memref<15xi32, #tpu.memory_space<smem>>
    %c0_i32 = arith.constant 0 : i32
    %c0_i32_1 = arith.constant 0 : i32
    %c0_i32_2 = arith.constant 0 : i32
    return %get3A_0, %c0_i32, %c0_i32_1 : i32, i32, i32
  }
  func.func @transform_2(%arg0: i32, %arg1: memref<15xi32, #tpu.memory_space<smem>>, %arg2: memref<15xi32, #tpu.memory_space<smem>>) -> (i32, i32, i32) {
    %get3A = arith.index_cast %arg0 : i32 to index
    %get3A_0 = memref.load %arg1[%get3A] : memref<15xi32, #tpu.memory_space<smem>>
    %c0_i32 = arith.constant 0 : i32
    %c0_i32_1 = arith.constant 0 : i32
    %c0_i32_2 = arith.constant 0 : i32
    return %get3A_0, %c0_i32, %c0_i32_1 : i32, i32, i32
  }
  func.func @transform_3(%arg0: i32, %arg1: memref<15xi32, #tpu.memory_space<smem>>, %arg2: memref<15xi32, #tpu.memory_space<smem>>) -> (i32, i32, i32) {
    %get3A = arith.index_cast %arg0 : i32 to index
    %get3A_0 = memref.load %arg1[%get3A] : memref<15xi32, #tpu.memory_space<smem>>
    %c0_i32 = arith.constant 0 : i32
    %c0_i32_1 = arith.constant 0 : i32
    %c0_i32_2 = arith.constant 0 : i32
    return %get3A_0, %c0_i32, %c0_i32_1 : i32, i32, i32
  }
  func.func @transform_4(%arg0: i32, %arg1: memref<15xi32, #tpu.memory_space<smem>>, %arg2: memref<15xi32, #tpu.memory_space<smem>>) -> (i32, i32, i32) {
    %get3A = arith.index_cast %arg0 : i32 to index
    %get3A_0 = memref.load %arg1[%get3A] : memref<15xi32, #tpu.memory_space<smem>>
    %c0_i32 = arith.constant 0 : i32
    %c0_i32_1 = arith.constant 0 : i32
    %c0_i32_2 = arith.constant 0 : i32
    return %get3A_0, %c0_i32, %c0_i32_1 : i32, i32, i32
  }
  func.func @transform_5(%arg0: i32, %arg1: memref<15xi32, #tpu.memory_space<smem>>, %arg2: memref<15xi32, #tpu.memory_space<smem>>) -> (i32, i32) {
    %c0_i32 = arith.constant 0 : i32
    %c0_i32_0 = arith.constant 0 : i32
    return %arg0, %c0_i32 : i32, i32
  }
  func.func @transform_6(%arg0: i32, %arg1: memref<15xi32, #tpu.memory_space<smem>>, %arg2: memref<15xi32, #tpu.memory_space<smem>>) -> (i32, i32) {
    %c0_i32 = arith.constant 0 : i32
    %c0_i32_0 = arith.constant 0 : i32
    return %arg0, %c0_i32 : i32, i32
  }
}

</mosaic_0001>

<sc_bundles>
// kernel: gather_offload_async_start
scs
__scs_entry_jumppad:
0x0: {  	(pc) =	sbr.rel $0x88, $3  }
0x1: {  	(tag) =	ssettag $0x0;
	lr =	simm.s32 $0x1  }
0x2: {  	[smem:$0x3F9B] =	sst lr;
	_ =	strace $0xD0000000  }
0x3: {  	_ = 	snop  }
0x4: {  	_ = 	snop  }
0x5: {  	_ = 	snop  }
0x6: {  	_ = 	snop  }
0x7: {  	_ = 	snop  }
__scs_overlays_trampoline_lowered:
0x8: {  	[smem:$0x3FAA] =	sst s0  }
0x9: {  	[smem:$0x3FAB] =	sst s1  }
0xa: {  	[smem:$0x3FAC] =	sst s2  }
0xb: {  	[smem:$0x3FAD] =	sst s3  }
0xc: {  	[smem:$0x3FAE] =	sst s4  }
0xd: {  	[smem:$0x3FAF] =	sst s5  }
0xe: {  	[smem:$0x3FB0] =	sst s6  }
0xf: {  	[smem:$0x3FB1] =	sst s7  }
0x10: {  	[smem:$0x3FB2] =	sst s8  }
0x11: {  	[smem:$0x3FB3] =	sst s9;
	s0 =	simm.s32 @!p0 $0x0  }
0x12: {  	s1 =	sld [smem:$0x3F99];
	s0 =	simm.s32 @p0 $0x1  }
0x13: {  	[smem:$0x3FB4] =	sst s0;
	s0 =	simm.s32 @!p1 $0x0  }
0x14: {  	s2 =	sld [smem:$0x3F98];
	s0 =	simm.s32 @p1 $0x1  }
0x15: {  	[smem:$0x3FB5] =	sst s0;
	s0 =	simm.s32 @!p2 $0x0  }
0x16: {  	s3 =	sld [smem:$0x3FDB];
	s0 =	simm.s32 @p2 $0x1  }
0x17: {  	s4 =	simm.s32 $0x1BF5;
	[smem:$0x3FB7] =	sst s0  }
0x18: {  	s0 =	sld [smem:$0x3F9A];
	_ =	swait.ge [sflag:s4], $0x0  }
0x19: {  	s7 =	sld [smem:$0x3F9B]  }
0x1a: {  	s8 =	sadd.s32 $0xFFFFE003, lr  }
0x1b: {  	s9 =	sadd.s32 $0xFFFFFEF7, lr;
	s5 =	simm.s32 $0xFFFFFFFF;
	p2 =	slt.u32 s8, $0xFFFFF086  }
0x1c: {  	p1 =	slt.u32 s9, $0xF7A;
	s5 =	simm.s32 @!p2 $0x0  }
0x1d: {  	s5 =	simm.s32 @p1 $0x1;
	p0 =	seq.s32 s7, s2  }
0x1e: {  	s7 =	smul.u32 @!p0 $0xF7A, s2;
	p2 =	seq.s32 @!p0 s5, $0x0  }
0x1f: {  	s9 =	smul.u32 $0xF7A, s1;
	s8 =	simm.s32 @!p0 $0x1BF5;
	p2 =	por !p2, p0  }
0x20: {  	[sflag:s8] =	ssyncset.s32 @!p0 $0xFFFFF086;
	s6 =	sadd.s32 @!p0 s3, s7;
	s7 =	simm.s32 @!p0 $0x108  }
0x21: {  	s3 =	sadd.s32 s3, s9;
	s6 =	sadd.s32 @!p0 $0x88, s6;
	s7 =	simm.s32 @p2 $0x1082  }
0x22: {  	[simem:s7], [sflag:s8] =	dma.local @!p0 [hbm:s6], $0xF7A  }
0x23: {  	s9 =	sor.u32 $0xD0000000, s2;
	s6 =	simm.s32 $0x108;
	_ =	swait.ge @!p0 [sflag:s8], $0x0  }
0x24: {  	s3 =	sadd.s32 $0x88, s3;
	s6 =	simm.s32 @!p1 $0x1082;
	[sflag:s4] =	ssyncset.s32 $0xFFFFF086  }
0x25: {  	[simem:s6], [sflag:s4] =	dma.local [hbm:s3], $0xF7A  }
0x26: {  	[smem:$0x3F9B] =	sst s1;
	(tag) =	ssettag s2;
	_ =	strace s9  }
0x27: {  	s1 =	sld [smem:$0x3FAB]  }
0x28: {  	s2 =	sld [smem:$0x3FAC]  }
0x29: {  	s4 =	sld [smem:$0x3FAE]  }
0x2a: {  	p0 =	seq.s32 s5, $0x0;
	s5 =	sld [smem:$0x3FAF]  }
0x2b: {  	s6 =	sld [smem:$0x3FB0]  }
0x2c: {  	s7 =	sld [smem:$0x3FB1]  }
0x2d: {  	s3 =	simm.s32 $0x108;
	s8 =	sld [smem:$0x3FB2]  }
0x2e: {  	s3 =	simm.s32 @!p0 $0x1082;
	s9 =	sld [smem:$0x3FB3]  }
0x2f: {  	lr =	sadd.s32 s0, s3;
	s0 =	sld [smem:$0x3FAA]  }
0x30: {  	s3 =	sld [smem:$0x3FAD]  }
0x31: {  	[smem:$0x3FB6] =	sst s10  }
0x32: {  	s10 =	sld [smem:$0x3FB4];
	_ =	sdelay $0x3  }
0x33: {  	p0 =	seq.s32 s10, $0x1;
	s10 =	sld [smem:$0x3FB6];
	_ =	sdelay $0x3  }
0x34: {  	[smem:$0x3FB6] =	sst s10  }
0x35: {  	s10 =	sld [smem:$0x3FB5];
	_ =	sdelay $0x3  }
0x36: {  	p1 =	seq.s32 s10, $0x1;
	s10 =	sld [smem:$0x3FB6];
	_ =	sdelay $0x3  }
0x37: {  	[smem:$0x3FB6] =	sst s10  }
0x38: {  	s10 =	sld [smem:$0x3FB7]  }
0x39: {  	_ = 	snop;
	(pc) =	sbr.ind lr, $3  }
0x3a: {  	_ = 	snop  }
0x3b: {  	_ = 	snop  }
0x3c: {  	p2 =	seq.s32 s10, $0x1;
	s10 =	sld [smem:$0x3FB6]  }
0x3d: {  	_ =	shalt  }
0x3e: {  	_ =	shalt  }
0x3f: {  	_ =	shalt  }
0x40: {  	_ =	shalt  }
0x41: {  	_ =	shalt  }
0x42: {  	_ =	shalt  }
0x43: {  	_ =	shalt  }
0x44: {  	_ =	shalt  }
0x45: {  	_ =	shalt  }
0x46: {  	_ =	shalt  }
0x47: {  	_ =	shalt  }
0x48: {  	_ =	shalt  }
0x49: {  	_ =	shalt  }
0x4a: {  	_ =	shalt  }
0x4b: {  	_ =	shalt  }
0x4c: {  	_ =	shalt  }
0x4d: {  	_ =	shalt  }
0x4e: {  	_ =	shalt  }
0x4f: {  	_ =	shalt  }
0x50: {  	_ =	shalt  }
0x51: {  	_ =	shalt  }
0x52: {  	_ =	shalt  }
0x53: {  	_ =	shalt  }
0x54: {  	_ =	shalt  }
0x55: {  	_ =	shalt  }
0x56: {  	_ =	shalt  }
0x57: {  	_ =	shalt  }
0x58: {  	_ =	shalt  }
0x59: {  	_ =	shalt  }
0x5a: {  	_ =	shalt  }
0x5b: {  	_ =	shalt  }
0x5c: {  	_ =	shalt  }
0x5d: {  	_ =	shalt  }
0x5e: {  	_ =	shalt  }
0x5f: {  	_ =	shalt  }
0x60: {  	_ =	shalt  }
0x61: {  	_ =	shalt  }
0x62: {  	_ =	shalt  }
0x63: {  	_ =	shalt  }
0x64: {  	_ =	shalt  }
0x65: {  	_ =	shalt  }
0x66: {  	_ =	shalt  }
0x67: {  	_ =	shalt  }
0x68: {  	_ =	shalt  }
0x69: {  	_ =	shalt  }
0x6a: {  	_ =	shalt  }
0x6b: {  	_ =	shalt  }
0x6c: {  	_ =	shalt  }
0x6d: {  	_ =	shalt  }
0x6e: {  	_ =	shalt  }
0x6f: {  	_ =	shalt  }
0x70: {  	_ =	shalt  }
0x71: {  	_ =	shalt  }
0x72: {  	_ =	shalt  }
0x73: {  	_ =	shalt  }
0x74: {  	_ =	shalt  }
0x75: {  	_ =	shalt  }
0x76: {  	_ =	shalt  }
0x77: {  	_ =	shalt  }
0x78: {  	_ =	shalt  }
0x79: {  	_ =	shalt  }
0x7a: {  	_ =	shalt  }
0x7b: {  	_ =	shalt  }
0x7c: {  	_ =	shalt  }
0x7d: {  	_ =	shalt  }
0x7e: {  	_ =	shalt  }
0x7f: {  	_ =	shalt  }
0x80: {  	_ =	shalt  }
0x81: {  	_ =	shalt  }
0x82: {  	_ =	shalt  }
0x83: {  	_ =	shalt  }
0x84: {  	_ =	shalt  }
0x85: {  	_ =	shalt  }
0x86: {  	_ =	shalt  }
0x87: {  	_ =	shalt  }
.Lfunc_end0:
.L_simem_size_0:
called_computation_lowered:
.L_overlay_start_0:
0x88: {  	s2 =	sld [smem:$0x3FD9]  }
0x89: {  	s3 =	sld [smem:$0x3FFE];
	_ =	sdelay $0x1  }
0x8a: {  	s1 =	srdreg.scid  }
0x8b: {  	s0 =	sand.u32 $0x1, s1  }
0x8c: {  	s17 =	sshll.u32 s0, $0xA;
	s2 =	sadd.s32 s3, s2  }
0x8d: {  	s2 =	sadd.s32 s2, s17  }
0x8e: {  	[smem:$0x3FC2] =	sst s2  }
0x8f: {  	_ = 	snop  }
0x90: {  	s2 =	sld [smem:$0x3FD0];
	(tm) =	ssettm $0x1  }
0x91: {  	s18 =	sld [smem:$0x3FFB];
	_ =	sdelay $0x3  }
0x92: {  	_ =	strace s18  }
0x93: {  	s3 =	sld [smem:$0x3FFC];
	_ =	sdelay $0x3  }
0x94: {  	_ =	strace s3  }
0x95: {  	s3 =	sld [smem:$0x3FFD];
	_ =	sdelay $0x3  }
0x96: {  	_ =	strace s3  }
0x97: {  	_ =	strace $0x8FFFFFFF  }
0x98: {  	s19 =	sld [smem:$0x3FDB];
	_ =	sdelay $0x1  }
0x99: {  	s4 =	simm.s32 $_scs_section_size  }
0x9a: {  	s5 =	simm.s32 $_size__tile_overlayer_lowered;
	s6 =	simm.s32 $_tile_overlayer_lowered  }
0x9b: {  	s22 =	simm.s32 $0x1BFF;
	s21 =	sshll.u32 s6, $0x1;
	s3 =	sadd.s32 s4, s19  }
0x9c: {  	s7 =	simm.s32 $0x0;
	s20 =	sshll.u32 s5, $0x1;
	s5 =	sadd.s32 s21, s3  }
0x9d: {  	[timem:s7], [sflag:s22] =	dma.local [hbm:s5], s20  }
0x9e: {  	_ =	swait.ge [sflag:s22], s20  }
0x9f: {  	s4 =	ssub.s32 $0x0, s20;
	[sflag:s22] =	ssyncset.done $0x0  }
0xa0: {  	[sflag:s22] =	ssyncadd.s32 s4;
	_ =	sdelay $0x1  }
0xa1: {  	s23 =	simm.s32 $0x1B8B  }
0xa2: {  	_ =	swait.ge [sflag:s23], $0x1  }
0xa3: {  	[sflag:s23] =	ssyncset.done $0x0  }
0xa4: {  	s25 =	simm.s32 $0x1B8E;
	s24 =	sld [smem:$0x3FFE];
	[sflag:s23] =	ssyncadd.s32 $0xFFFFFFFF  }
0xa5: {  	s26 =	simm.s32 $execute0_lowered;
	[smem:$0x3FD2] =	sst s25  }
0xa6: {  	s5 =	sshll.u32 s26, $0x1;
	_ =	strace $0x80000046;
	[dreg:$0x1] =	wrdreg $0xFFFFFFFF  }
0xa7: {  	s28 =	simm.s32 $_size_execute0_lowered;
	s3 =	sadd.s32 s3, s5;
	[dreg:$0x0] =	wrdreg $0x0  }
0xa8: {  	s5 =	sshll.u32 s28, $0x1;
	[dreg:$0x2] =	wrdreg s3  }
0xa9: {  	[dreg:$0x3] =	wrdreg s5  }
0xaa: {  	[dreg:$0x4] =	wrdreg $0xC0  }
0xab: {  	_ =	task [dreg:s7], $0x5FFFF  }
0xac: {  	[dreg:$0x1] =	wrdreg $0xFFFFFFFF  }
0xad: {  	[dreg:$0x0] =	wrdreg $0x60  }
0xae: {  	[dreg:$0x2] =	wrdreg s2  }
0xaf: {  	[dreg:$0x3] =	wrdreg s24  }
0xb0: {  	[dreg:$0x4] =	wrdreg $0x9  }
0xb1: {  	_ =	task.clear_ibuf [dreg:s7], $0x5FFFF;
	_ =	strace $0x90000046  }
0xb2: {  	s29 =	simm.s32 $0x9;
	_ =	strace $0x80000048  }
0xb3: {  	_ =	swait.ge [sflag:s29], $0x1  }
0xb4: {  	[sflag:s29] =	ssyncadd.s32 $0xFFFFFFFF  }
0xb5: {  	_ =	strace $0x90000048  }
0xb6: {  	_ =	sfence  }
0xb7: {  	s30 =	sld [smem:$0x0];
	_ =	sdelay $0x2  }
0xb8: {  	s31 =	sshll.u32 s1, $0xD;
	s1 =	sshrl.u32 s1, $0x2  }
0xb9: {  	s3 =	sand.u32 $0x4000, s31;
	s1 =	sadd.s32 s1, s30  }
0xba: {  	s0 =	sor.u32 s3, s0;
	s1 =	sshll.u32 s1, $0x11  }
0xbb: {  	s0 =	sor.u32 s1, s0  }
0xbc: {  	s0 =	sadd.s32 $0x8F2B, s0  }
0xbd: {  	[sflag:s0] =	ssyncadd.remote.s32 $0x1  }
0xbe: {  	_ =	sfence.sel $0xFFFF  }
0xbf: {  	[dreg:$0x0] =	wrdreg $0xFFFFFFFF;
	(pc) =	sbr.abs _section_cstart, $3  }
0xc0: {  	[dreg:$0x1] =	wrdreg $0xFFFFFFFF  }
0xc1: {  	_ =	task.clear_ibuf [dreg:s7], $0x2FFFF;
	_ =	strace $0x9FFFFFFF  }
0xc2: {  	(tm) =	ssettm $0x7FFFFFFF  }
0xc3: {  	_ =	shalt  }
tec
execute0_lowered:
.L_overlay_start_1:
0x0: {  	(tag) =	ssettag $0x1  }
0x1: {  	s1 =	srdreg.scid;
	s2 =	rddreg [dreg:$0x0]  }
0x2: {  	s0 =	stileid.u32;
	s5 =	rddreg [dreg:$0x1];
	s6 =	simm.s32 $0x1  }
0x3: {  	s9 =	simm.s32 $0x1;
	s10 =	simm.s32 $0x3;
	s1 =	sshll.u32 s1, $0x6  }
0x4: {  	s13 =	simm.s32 $0x0;
	s3 =	sshll.u32 s0, $0x7;
	s4 =	sand.u32 $0x40, s1  }
0x5: {  	s12 =	simm.s32 $0x0;
	s1 =	rddreg [dreg:$0x2];
	s3 =	sor.u32 s3, s4  }
0x6: {  	_ =	strace $0x80000047;
	s4 =	sadd.s32 $0xE00, s5;
	s8 =	ssub.s32 $0x1000, s3  }
.Ltmp0:
0x7: {  	s5 =	sadd.s32 $0x2000, s5;
	s7 =	sand.u32 $0x7C0, s8;
	(pc) =	sbr.rel .LBB2_1-.Ltmp0, $4  }
0x8: {  	[sflag:s6] =	ssyncpa.u1 $0x0;
	s11 =	smov.u32 s3;
	p0 =	sne.s32 s7, $0x0  }
0x9: {  	s8 =	sshrl.u32 s8, $0xB;
	s7 =	simm.s32 $0x2;
	s9 =	simm.s32 @!p0 $0x0  }
0xa: {  	[sflag:s7] =	ssyncpa.u1 $0x0;
	p0 =	por $0x0, $0x0;
	s8 =	sadd.s32 s9, s8  }
0xb: {  	vm0 =	vmmov $0xffff;
	[sflag:s10] =	ssyncpa.u1 $0x0;
	s10 =	simm.s32 $0x0;
	s9 =	sadd.s32 $0x1, s8  }
.LBB2_4:
0xc: {  	v5 =	vshrl.u32 v1, $0xC;
	v6 =	vshll.u32 v1, $0x7  }
0xd: {  	vm1 =	veq.s32 v1, $0x80000000;
	v58 =	vand.u32 $0x7, v5;
	v59 =	vand.u32 $0x7FF80, v6  }
0xe: {  	v1 =	vsel vm1, $0xFFFFFFFF, v58;
	v5 =	vsel vm1, $0xFFFFFF80, v59  }
0xf: {  	v3 =	vor.u32 v4, v3;
	v60 =	vand.u32 $0xFFFFFC00, v5;
	v61 =	vand.u32 $0xFFFFFC00, v1  }
0x10: {  	v2 =	vor.u32 v2, v3;
	v63 =	vand.u32 $0x380, v5;
	v62 =	vadd.s32 v61, v60  }
0x11: {  	v1 =	vand.u32 $0x7F, v1;
	v3 =	vor.u32 v63, v62  }
0x12: {  	v1 =	vor.u32 v1, v3  }
0x13: {  	[tilespmem:s15], [sflag:$0x1] =	stream.indirect_vreg.gather [hbm4b:s2+s10], $0x1, v0, vm0, $0x4038;
	[tilespmem:$0x100] =	vst v63  }
0x14: {  	(ifvalue) =	ssetifvalue $0x7FFFFFFF  }
0x15: {  	[tilespmem:s16], [sflag:$0x1] =	stream.indirect_vreg.gather [hbm4b:s2+s10], $0x1, v2, vm0, $0x4038;
	[tilespmem:$0x100] =	vst v63  }
0x16: {  	s29 =	sadd.s32 $0x10, s16;
	(ifvalue) =	ssetifvalue $0x7FFFFFFF  }
0x17: {  	[tilespmem:s29], [sflag:$0x1] =	stream.indirect_vreg.gather [hbm4b:s2+s10], $0x1, v1, vm0, $0x4038;
	[tilespmem:$0x100] =	vst v63  }
0x18: {  	_ =	swait.ge [sflag:s6], $0x40  }
0x19: {  	s30 =	sshrl.u32 s13, $0x3;
	[sflag:s6] =	ssyncset.done $0x0  }
0x1a: {  	s31 =	sand.u32 $0x7, s13;
	s15 =	sadd.s32 s5, s30;
	[sflag:s6] =	ssyncadd.s32 $0xFFFFFFC0  }
0x1b: {  	[hbm4b:s15+s31] =	stream.linear.scatter [tilespmem:s14], [sflag:$0x3], $0x40, $0x38;
	[tilespmem:$0x100] =	vst v63  }
.LBB2_5:
0x1c: {  	s15 =	sadd.s32 $0x800, s11  }
0x1d: {  	p2 =	sgt.s32 s15, $0xFFF  }
0x1e: {  	s15 =	smov.u32 @p2 s3;
	p2 =	sne.s32 s12, s9  }
.Ltmp1:
0x1f: {  	p1 =	slt.u32 s12, $0x2;
	(pc) =	sbr.rel @!p2 .LBB2_6-.Ltmp1, $4  }
0x20: {  	s14 =	simm.s32 @!p1 $0x3  }
0x21: {  	s16 =	sadd.s32 $0x1, s12;
	_ =	swait.ge @!p1 [sflag:s14], $0x40  }
0x22: {  	s13 =	smov.u32 s11;
	p0 =	por !p0, !p0;
	[sflag:s14] =	ssyncset.done @!p1 $0x0  }
0x23: {  	s12 =	smov.u32 s16;
	s11 =	smov.u32 s15;
	[sflag:s14] =	ssyncadd.s32 @!p1 $0xFFFFFFC0  }
.LBB2_1:
0x24: {  	p1 =	sge.u32 s12, s8  }
0x25: {  	s14 =	sxor.u32 @!p1 $0xFFFFFFFF, s12  }
0x26: {  	s31 =	sadd.s32 $0xFFFFFFFF, s12;
	s15 =	sshrl.u32 @!p1 s11, $0x3;
	s14 =	sshll.u32 @!p1 s14, $0x6  }
0x27: {  	s16 =	sand.u32 @!p1 $0x7, s11;
	s15 =	sadd.s32 @!p1 s4, s15;
	s14 =	sand.u32 @!p1 $0x40, s14  }
0x28: {  	[tilespmem:s14], [sflag:$0x2] =	stream.linear.gather @!p1 [hbm4b:s15+s16], $0x40, $0x38;
	[tilespmem:$0x100] =	vst v63  }
0x29: {  	p1 =	sge.u32 s31, s8  }
.Ltmp2:
0x2a: {  	_ = 	snop;
	(pc) =	sbr.rel @p1 .LBB2_5-.Ltmp2, $1  }
0x2b: {  	_ =	sdelay $0x3  }
0x2c: {  	s14 =	simm.s32 $0x1  }
0x2d: {  	_ =	swait.ge [sflag:s7], $0x40;
	s14 =	simm.s32 @!p0 $0x0  }
0x2e: {  	[sflag:s7] =	ssyncset.done $0x0;
	s14 =	sshll.u32 s14, $0x6  }
0x2f: {  	[sflag:s7] =	ssyncadd.s32 $0xFFFFFFC0;
	(ifvalue) =	ssetifvalue $0x7FFFFFFF;
	v0 =	vld.msk [tilespmem:s14+$0x0 ss:$0x1], $0xffff;
	_ =	sdelay $0x4  }
0x30: {  	s15 =	sadd.s32 $0x10, s14;
	v2 =	vshrl.u32 v0, $0xC;
	v3 =	vshll.u32 v0, $0x7  }
0x31: {  	v1 =	vld.msk [tilespmem:s15+$0x0 ss:$0x1], $0xffff;
	vm1 =	veq.s32 v0, $0x80000000;
	v0 =	vand.u32 $0x7, v2;
	v2 =	vand.u32 $0x7FF80, v3  }
0x32: {  	v0 =	vsel vm1, $0xFFFFFFFF, v0;
	v2 =	vsel vm1, $0xFFFFFF80, v2  }
0x33: {  	v3 =	vand.u32 $0xFFFFFC00, v2;
	v4 =	vand.u32 $0xFFFFFC00, v0  }
0x34: {  	v2 =	vand.u32 $0x380, v2;
	v3 =	vadd.s32 v4, v3  }
0x35: {  	v0 =	vand.u32 $0x7F, v0;
	v2 =	vor.u32 v2, v3  }
0x36: {  	v5 =	vshll.u32 v1, $0x7;
	v4 =	vshrl.u32 v1, $0xC;
	v0 =	vor.u32 v0, v2  }
0x37: {  	s16 =	sshll.u32 s12, $0x6;
	vm1 =	veq.s32 v1, $0x80000000;
	v1 =	vand.u32 $0x7, v4;
	v4 =	vand.u32 $0x7FF80, v5  }
0x38: {  	s16 =	sand.u32 $0x40, s16;
	s18 =	sadd.s32 $0x10, s15;
	v3 =	vsel vm1, $0xFFFFFFFF, v1;
	v4 =	vsel vm1, $0xFFFFFF80, v4  }
0x39: {  	s17 =	simm.s32 $0x20;
	s15 =	sor.u32 $0x80, s14;
	s14 =	sor.u32 $0x80, s16;
	v1 =	vld.msk [tilespmem:s18+$0x0 ss:$0x1], $0xffff;
	v5 =	vand.u32 $0xFFFFFC00, v4;
	v6 =	vand.u32 $0xFFFFFC00, v3  }
0x3a: {  	s16 =	sadd.s32 $0x10, s15;
	s18 =	sadd.s32 $0x10, s18;
	(ifvalue) =	ssetifvalue $0x7FFFFFFF;
	v2 =	vand.u32 $0x7F, v3;
	v4 =	vand.u32 $0x380, v4;
	v3 =	vadd.s32 v6, v5  }
.LBB2_3:
0x3b: {  	[tilespmem:s15], [sflag:$0x1] =	stream.indirect_vreg.gather [hbm4b:s2+s10], $0x1, v0, vm0, $0x4038;
	[tilespmem:$0x100] =	vst v63  }
0x3c: {  	s17 =	sadd.s32 $0x10, s17  }
0x3d: {  	v3 =	vor.u32 v4, v3;
	p1 =	slt.u32 s17, $0x30  }
.Ltmp3:
0x3e: {  	v4 =	vshrl.u32 v1, $0xC;
	v5 =	vshll.u32 v1, $0x7;
	s15 =	smov.u32 s16;
	v0 =	vor.u32 v2, v3;
	v2 =	vmovc v1;
	v1 =	vld.msk [tilespmem:s18+$0x0 ss:$0x1], $0xffff;
	(pc) =	sbr.rel @p1 .LBB2_3-.Ltmp3, $4  }
0x3f: {  	v3 =	vand.u32 $0x7FF80, v5;
	vm1 =	veq.s32 v2, $0x80000000;
	v2 =	vand.u32 $0x7, v4  }
0x40: {  	v4 =	vsel vm1, $0xFFFFFFFF, v2;
	v5 =	vsel vm1, $0xFFFFFF80, v3  }
0x41: {  	v2 =	vand.u32 $0x7F, v4;
	v3 =	vand.u32 $0xFFFFFC00, v5;
	v4 =	vand.u32 $0xFFFFFC00, v4  }
0x42: {  	s16 =	sadd.s32 $0x10, s16;
	s18 =	sadd.s32 $0x10, s18;
	v3 =	vadd.s32 v4, v3;
	v4 =	vand.u32 $0x380, v5;
	(ifvalue) =	ssetifvalue $0x7FFFFFFF  }
.Ltmp4:
0x43: {  	_ = 	snop;
	(pc) =	sbr.rel .LBB2_4-.Ltmp4, $1  }
0x44: {  	_ =	sdelay $0x3  }
.LBB2_6:
0x45: {  	_ =	sfence.sel $0x180000  }
0x46: {  	s2 =	simm.s32 $0x2;
	[bflag:$0x0] =	sbarrier.arrive $0xFFFF  }
0x47: {  	s30 =	simm.s32 $0x3;
	[sflag:s2] =	ssyncpa.u1 $0x1  }
0x48: {  	s31 =	simm.s32 $0x1;
	[sflag:s30] =	ssyncpa.u1 $0x1  }
0x49: {  	[sflag:s31] =	ssyncpa.u1 $0x1  }
0x4a: {  	p0 =	sne.s32 s0, $0x0;
	_ =	strace $0x90000047  }
0x4b: {  	s0 =	sadd.s32 @!p0 $0x100000, s1;
	[bflag:$0x2] =	sbarrier.arrive $0xFFFF  }
0x4c: {  	[sflag:s0] =	ssyncadd.tile.s32 @!p0 $0x1;
	_ =	shalt  }
.Lfunc_end2:
_tile_overlayer_lowered:
.L_overlay_start_2:
0x4d: {  	(tag) =	ssettag $0x2  }
0x4e: {  	s0 =	rddreg [dreg:$0x0];
	s2 =	stileid.u32  }
0x4f: {  	s1 =	rddreg [dreg:$0x1];
	p0 =	sne.s32 s2, $0x0  }
0x50: {  	s3 =	rddreg [dreg:$0x2];
	[bflag:$0x3] =	sbarrier.arrive $0xFFFF;
	s2 =	simm.s32 @!p0 $0x1C01  }
0x51: {  	[timem:s3], [sflag:s2] =	dma.local @!p0 [hbm:s0], s1  }
0x52: {  	s0 =	simm.s32 @!p0 $0x1  }
0x53: {  	_ =	swait.ge @!p0 [sflag:s0], s1  }
0x54: {  	s1 =	ssub.s32 @!p0 $0x0, s1;
	[sflag:s0] =	ssyncset.done @!p0 $0x0  }
0x55: {  	[sflag:s0] =	ssyncadd.s32 @!p0 s1  }
0x56: {  	[bflag:$0x3] =	sbarrier.arrive $0xFFFF  }
0x57: {  	_ =	shalt  }

// kernel: kernel.6.cloned.1.call-start
scs
__scs_entry_jumppad:
0x0: {  	(pc) =	sbr.rel $0x88, $3  }
0x1: {  	(tag) =	ssettag $0x0;
	lr =	simm.s32 $0x1  }
0x2: {  	[smem:$0x3F9B] =	sst lr;
	_ =	strace $0xD0000000  }
0x3: {  	_ = 	snop  }
0x4: {  	_ = 	snop  }
0x5: {  	_ = 	snop  }
0x6: {  	_ = 	snop  }
0x7: {  	_ = 	snop  }
__scs_overlays_trampoline_lowered:
0x8: {  	[smem:$0x3FAA] =	sst s0  }
0x9: {  	[smem:$0x3FAB] =	sst s1  }
0xa: {  	[smem:$0x3FAC] =	sst s2  }
0xb: {  	[smem:$0x3FAD] =	sst s3  }
0xc: {  	[smem:$0x3FAE] =	sst s4  }
0xd: {  	[smem:$0x3FAF] =	sst s5  }
0xe: {  	[smem:$0x3FB0] =	sst s6  }
0xf: {  	[smem:$0x3FB1] =	sst s7  }
0x10: {  	[smem:$0x3FB2] =	sst s8  }
0x11: {  	[smem:$0x3FB3] =	sst s9;
	s0 =	simm.s32 @!p0 $0x0  }
0x12: {  	s1 =	sld [smem:$0x3F99];
	s0 =	simm.s32 @p0 $0x1  }
0x13: {  	[smem:$0x3FB4] =	sst s0;
	s0 =	simm.s32 @!p1 $0x0  }
0x14: {  	s2 =	sld [smem:$0x3F98];
	s0 =	simm.s32 @p1 $0x1  }
0x15: {  	[smem:$0x3FB5] =	sst s0;
	s0 =	simm.s32 @!p2 $0x0  }
0x16: {  	s3 =	sld [smem:$0x3FDB];
	s0 =	simm.s32 @p2 $0x1  }
0x17: {  	s4 =	simm.s32 $0x1BF5;
	[smem:$0x3FB7] =	sst s0  }
0x18: {  	s0 =	sld [smem:$0x3F9A];
	_ =	swait.ge [sflag:s4], $0x0  }
0x19: {  	s7 =	sld [smem:$0x3F9B]  }
0x1a: {  	s8 =	sadd.s32 $0xFFFFE003, lr  }
0x1b: {  	s9 =	sadd.s32 $0xFFFFFEF7, lr;
	s5 =	simm.s32 $0xFFFFFFFF;
	p2 =	slt.u32 s8, $0xFFFFF086  }
0x1c: {  	p1 =	slt.u32 s9, $0xF7A;
	s5 =	simm.s32 @!p2 $0x0  }
0x1d: {  	s5 =	simm.s32 @p1 $0x1;
	p0 =	seq.s32 s7, s2  }
0x1e: {  	s7 =	smul.u32 @!p0 $0xF7A, s2;
	p2 =	seq.s32 @!p0 s5, $0x0  }
0x1f: {  	s9 =	smul.u32 $0xF7A, s1;
	s8 =	simm.s32 @!p0 $0x1BF5;
	p2 =	por !p2, p0  }
0x20: {  	[sflag:s8] =	ssyncset.s32 @!p0 $0xFFFFF086;
	s6 =	sadd.s32 @!p0 s3, s7;
	s7 =	simm.s32 @!p0 $0x108  }
0x21: {  	s3 =	sadd.s32 s3, s9;
	s6 =	sadd.s32 @!p0 $0x88, s6;
	s7 =	simm.s32 @p2 $0x1082  }
0x22: {  	[simem:s7], [sflag:s8] =	dma.local @!p0 [hbm:s6], $0xF7A  }
0x23: {  	s9 =	sor.u32 $0xD0000000, s2;
	s6 =	simm.s32 $0x108;
	_ =	swait.ge @!p0 [sflag:s8], $0x0  }
0x24: {  	s3 =	sadd.s32 $0x88, s3;
	s6 =	simm.s32 @!p1 $0x1082;
	[sflag:s4] =	ssyncset.s32 $0xFFFFF086  }
0x25: {  	[simem:s6], [sflag:s4] =	dma.local [hbm:s3], $0xF7A  }
0x26: {  	[smem:$0x3F9B] =	sst s1;
	(tag) =	ssettag s2;
	_ =	strace s9  }
0x27: {  	s1 =	sld [smem:$0x3FAB]  }
0x28: {  	s2 =	sld [smem:$0x3FAC]  }
0x29: {  	s4 =	sld [smem:$0x3FAE]  }
0x2a: {  	p0 =	seq.s32 s5, $0x0;
	s5 =	sld [smem:$0x3FAF]  }
0x2b: {  	s6 =	sld [smem:$0x3FB0]  }
0x2c: {  	s7 =	sld [smem:$0x3FB1]  }
0x2d: {  	s3 =	simm.s32 $0x108;
	s8 =	sld [smem:$0x3FB2]  }
0x2e: {  	s3 =	simm.s32 @!p0 $0x1082;
	s9 =	sld [smem:$0x3FB3]  }
0x2f: {  	lr =	sadd.s32 s0, s3;
	s0 =	sld [smem:$0x3FAA]  }
0x30: {  	s3 =	sld [smem:$0x3FAD]  }
0x31: {  	[smem:$0x3FB6] =	sst s10  }
0x32: {  	s10 =	sld [smem:$0x3FB4];
	_ =	sdelay $0x3  }
0x33: {  	p0 =	seq.s32 s10, $0x1;
	s10 =	sld [smem:$0x3FB6];
	_ =	sdelay $0x3  }
0x34: {  	[smem:$0x3FB6] =	sst s10  }
0x35: {  	s10 =	sld [smem:$0x3FB5];
	_ =	sdelay $0x3  }
0x36: {  	p1 =	seq.s32 s10, $0x1;
	s10 =	sld [smem:$0x3FB6];
	_ =	sdelay $0x3  }
0x37: {  	[smem:$0x3FB6] =	sst s10  }
0x38: {  	s10 =	sld [smem:$0x3FB7]  }
0x39: {  	_ = 	snop;
	(pc) =	sbr.ind lr, $3  }
0x3a: {  	_ = 	snop  }
0x3b: {  	_ = 	snop  }
0x3c: {  	p2 =	seq.s32 s10, $0x1;
	s10 =	sld [smem:$0x3FB6]  }
0x3d: {  	_ =	shalt  }
0x3e: {  	_ =	shalt  }
0x3f: {  	_ =	shalt  }
0x40: {  	_ =	shalt  }
0x41: {  	_ =	shalt  }
0x42: {  	_ =	shalt  }
0x43: {  	_ =	shalt  }
0x44: {  	_ =	shalt  }
0x45: {  	_ =	shalt  }
0x46: {  	_ =	shalt  }
0x47: {  	_ =	shalt  }
0x48: {  	_ =	shalt  }
0x49: {  	_ =	shalt  }
0x4a: {  	_ =	shalt  }
0x4b: {  	_ =	shalt  }
0x4c: {  	_ =	shalt  }
0x4d: {  	_ =	shalt  }
0x4e: {  	_ =	shalt  }
0x4f: {  	_ =	shalt  }
0x50: {  	_ =	shalt  }
0x51: {  	_ =	shalt  }
0x52: {  	_ =	shalt  }
0x53: {  	_ =	shalt  }
0x54: {  	_ =	shalt  }
0x55: {  	_ =	shalt  }
0x56: {  	_ =	shalt  }
0x57: {  	_ =	shalt  }
0x58: {  	_ =	shalt  }
0x59: {  	_ =	shalt  }
0x5a: {  	_ =	shalt  }
0x5b: {  	_ =	shalt  }
0x5c: {  	_ =	shalt  }
0x5d: {  	_ =	shalt  }
0x5e: {  	_ =	shalt  }
0x5f: {  	_ =	shalt  }
0x60: {  	_ =	shalt  }
0x61: {  	_ =	shalt  }
0x62: {  	_ =	shalt  }
0x63: {  	_ =	shalt  }
0x64: {  	_ =	shalt  }
0x65: {  	_ =	shalt  }
0x66: {  	_ =	shalt  }
0x67: {  	_ =	shalt  }
0x68: {  	_ =	shalt  }
0x69: {  	_ =	shalt  }
0x6a: {  	_ =	shalt  }
0x6b: {  	_ =	shalt  }
0x6c: {  	_ =	shalt  }
0x6d: {  	_ =	shalt  }
0x6e: {  	_ =	shalt  }
0x6f: {  	_ =	shalt  }
0x70: {  	_ =	shalt  }
0x71: {  	_ =	shalt  }
0x72: {  	_ =	shalt  }
0x73: {  	_ =	shalt  }
0x74: {  	_ =	shalt  }
0x75: {  	_ =	shalt  }
0x76: {  	_ =	shalt  }
0x77: {  	_ =	shalt  }
0x78: {  	_ =	shalt  }
0x79: {  	_ =	shalt  }
0x7a: {  	_ =	shalt  }
0x7b: {  	_ =	shalt  }
0x7c: {  	_ =	shalt  }
0x7d: {  	_ =	shalt  }
0x7e: {  	_ =	shalt  }
0x7f: {  	_ =	shalt  }
0x80: {  	_ =	shalt  }
0x81: {  	_ =	shalt  }
0x82: {  	_ =	shalt  }
0x83: {  	_ =	shalt  }
0x84: {  	_ =	shalt  }
0x85: {  	_ =	shalt  }
0x86: {  	_ =	shalt  }
0x87: {  	_ =	shalt  }
.Lfunc_end0:
.L_simem_size_0:
called_computation.1_lowered:
.L_overlay_start_0:
0x88: {  	s2 =	sld [smem:$0x3FD9]  }
0x89: {  	s3 =	sld [smem:$0x3FFE];
	_ =	sdelay $0x1  }
0x8a: {  	s1 =	srdreg.scid  }
0x8b: {  	s0 =	sand.u32 $0x1, s1  }
0x8c: {  	s17 =	sshll.u32 s0, $0xA;
	s2 =	sadd.s32 s3, s2  }
0x8d: {  	s2 =	sadd.s32 s2, s17  }
0x8e: {  	[smem:$0x3FC2] =	sst s2  }
0x8f: {  	_ = 	snop  }
0x90: {  	s2 =	sld [smem:$0x3FC9];
	(tm) =	ssettm $0x1  }
0x91: {  	s18 =	sld [smem:$0x3FFB];
	_ =	sdelay $0x3  }
0x92: {  	_ =	strace s18  }
0x93: {  	s3 =	sld [smem:$0x3FFC];
	_ =	sdelay $0x3  }
0x94: {  	_ =	strace s3  }
0x95: {  	s3 =	sld [smem:$0x3FFD];
	_ =	sdelay $0x3  }
0x96: {  	_ =	strace s3  }
0x97: {  	_ =	strace $0x8FFFFFFF  }
0x98: {  	s19 =	sld [smem:$0x3FDB];
	_ =	sdelay $0x1  }
0x99: {  	s4 =	simm.s32 $_scs_section_size  }
0x9a: {  	s5 =	simm.s32 $_size__tile_overlayer_lowered;
	s6 =	simm.s32 $_tile_overlayer_lowered  }
0x9b: {  	s22 =	simm.s32 $0x1BFF;
	s21 =	sshll.u32 s6, $0x1;
	s3 =	sadd.s32 s4, s19  }
0x9c: {  	s7 =	simm.s32 $0x0;
	s20 =	sshll.u32 s5, $0x1;
	s5 =	sadd.s32 s21, s3  }
0x9d: {  	[timem:s7], [sflag:s22] =	dma.local [hbm:s5], s20  }
0x9e: {  	_ =	swait.ge [sflag:s22], s20  }
0x9f: {  	s4 =	ssub.s32 $0x0, s20;
	[sflag:s22] =	ssyncset.done $0x0  }
0xa0: {  	[sflag:s22] =	ssyncadd.s32 s4;
	_ =	sdelay $0x1  }
0xa1: {  	s23 =	simm.s32 $0x1B8B  }
0xa2: {  	_ =	swait.ge [sflag:s23], $0x1  }
0xa3: {  	[sflag:s23] =	ssyncset.done $0x0  }
0xa4: {  	s25 =	simm.s32 $0x1B8E;
	s24 =	sld [smem:$0x3FFE];
	[sflag:s23] =	ssyncadd.s32 $0xFFFFFFFF  }
0xa5: {  	s26 =	simm.s32 $execute0_lowered;
	[smem:$0x3FD2] =	sst s25  }
0xa6: {  	s5 =	sshll.u32 s26, $0x1;
	_ =	strace $0x80000049;
	[dreg:$0x1] =	wrdreg $0xFFFFFFFF  }
0xa7: {  	s28 =	simm.s32 $_size_execute0_lowered;
	s3 =	sadd.s32 s3, s5;
	[dreg:$0x0] =	wrdreg $0x0  }
0xa8: {  	s5 =	sshll.u32 s28, $0x1;
	[dreg:$0x2] =	wrdreg s3  }
0xa9: {  	[dreg:$0x3] =	wrdreg s5  }
0xaa: {  	[dreg:$0x4] =	wrdreg $0xC0  }
0xab: {  	_ =	task [dreg:s7], $0x5FFFF  }
0xac: {  	[dreg:$0x1] =	wrdreg $0xFFFFFFFF  }
0xad: {  	[dreg:$0x0] =	wrdreg $0x60  }
0xae: {  	[dreg:$0x2] =	wrdreg s2  }
0xaf: {  	[dreg:$0x3] =	wrdreg s24  }
0xb0: {  	[dreg:$0x4] =	wrdreg $0x9  }
0xb1: {  	_ =	task.clear_ibuf [dreg:s7], $0x5FFFF;
	_ =	strace $0x90000049  }
0xb2: {  	s29 =	simm.s32 $0x9;
	_ =	strace $0x8000004B  }
0xb3: {  	_ =	swait.ge [sflag:s29], $0x1  }
0xb4: {  	[sflag:s29] =	ssyncadd.s32 $0xFFFFFFFF  }
0xb5: {  	_ =	strace $0x9000004B  }
0xb6: {  	_ =	sfence  }
0xb7: {  	s30 =	sld [smem:$0x0];
	_ =	sdelay $0x2  }
0xb8: {  	s31 =	sshll.u32 s1, $0xD;
	s1 =	sshrl.u32 s1, $0x2  }
0xb9: {  	s3 =	sand.u32 $0x4000, s31;
	s1 =	sadd.s32 s1, s30  }
0xba: {  	s0 =	sor.u32 s3, s0;
	s1 =	sshll.u32 s1, $0x11  }
0xbb: {  	s0 =	sor.u32 s1, s0  }
0xbc: {  	s0 =	sadd.s32 $0x8F2B, s0  }
0xbd: {  	[sflag:s0] =	ssyncadd.remote.s32 $0x1  }
0xbe: {  	_ =	sfence.sel $0xFFFF  }
0xbf: {  	[dreg:$0x0] =	wrdreg $0xFFFFFFFF;
	(pc) =	sbr.abs _section_cstart, $3  }
0xc0: {  	[dreg:$0x1] =	wrdreg $0xFFFFFFFF  }
0xc1: {  	_ =	task.clear_ibuf [dreg:s7], $0x2FFFF;
	_ =	strace $0x9FFFFFFF  }
0xc2: {  	(tm) =	ssettm $0x7FFFFFFF  }
0xc3: {  	_ =	shalt  }
tec
execute0_lowered:
.L_overlay_start_1:
0x0: {  	(tag) =	ssettag $0x1  }
0x1: {  	s0 =	rddreg [dreg:$0x0];
	s1 =	srdreg.scid  }
0x2: {  	s2 =	stileid.u32;
	s6 =	rddreg [dreg:$0x1];
	s26 =	simm.s32 $0x80  }
0x3: {  	s9 =	simm.s32 $0x3;
	s18 =	simm.s32 $0x100;
	s22 =	simm.s32 $0x1900  }
0x4: {  	s28 =	simm.s32 $0x4100;
	s29 =	simm.s32 $0x4900;
	s30 =	simm.s32 $0x5100  }
0x5: {  	s31 =	simm.s32 $0x5900;
	s10 =	simm.s32 $0x7100;
	s11 =	simm.s32 $0x7900  }
0x6: {  	s12 =	simm.s32 $0x8100;
	s13 =	simm.s32 $0x8900;
	s14 =	simm.s32 $0x9100  }
0x7: {  	s15 =	simm.s32 $0x9900;
	s16 =	simm.s32 $0xA100;
	s17 =	simm.s32 $0xA900  }
0x8: {  	s8 =	simm.s32 $0xB100;
	s1 =	sand.u32 $0x1, s1;
	s3 =	sshll.u32 s2, $0x1  }
0x9: {  	s19 =	simm.s32 $0xB900;
	s2 =	simm.s32 $0x0;
	s3 =	sor.u32 s1, s3  }
0xa: {  	[smem:$0x7FF] =	sst s2;
	s1 =	ssub.s32 $0x2, s1;
	s4 =	sshll.u32 s3, $0x4  }
0xb: {  	_ =	strace $0x8000004A;
	s5 =	sshll.u32 s3, $0xD;
	s3 =	sadd.s32 $0x2200, s6  }
0xc: {  	s23 =	sshrl.u32 s1, $0x1;
	[dreg:$0x6] =	wrdreg s26;
	s26 =	simm.s32 $0x3900  }
0xd: {  	s4 =	sadd.s32 s4, s6;
	s0 =	sadd.s32 s0, s5;
	s1 =	ssub.s32 s1, s23  }
0xe: {  	s5 =	sadd.s32 $0x2400, s6;
	s23 =	simm.s32 $0x2100;
	[dreg:$0x3] =	wrdreg s0  }
0xf: {  	v2 =	vlaneseq.u32;
	s24 =	sadd.s32 $0x1200, s4;
	s25 =	sadd.s32 $0x1400, s4;
	s4 =	sadd.s32 $0x2300, s6  }
0x10: {  	vm0 =	vmmov $0xffff;
	v1 =	vshrl.u32 v2, $0x3;
	s6 =	sadd.s32 $0x2500, s6;
	s7 =	smax.u32 s1, $0x1;
	[dreg:$0x4] =	wrdreg s24  }
0x11: {  	v0 =	vand.u32 $0x7, v2;
	v2 =	vor.u32 $0x8, v2;
	v1 =	vmul.u32 $0x8, v1;
	[dreg:$0x5] =	wrdreg s25;
	s24 =	simm.s32 $0x2900;
	s25 =	simm.s32 $0x3100  }
.LBB2_1:
0x12: {  	s20 =	rddreg [dreg:$0x3]  }
0x13: {  	[tilespmem:s18], [sflag:$0x3] =	stream.linear.gather [hbm4b:s20+s2], $0x10000, $0x38;
	[tilespmem:$0x10100] =	vst v63  }
0x14: {  	_ =	swait.ge [sflag:s9], $0x10000  }
0x15: {  	[sflag:s9] =	ssyncset.done $0x0  }
0x16: {  	s0 =	rddreg [dreg:$0x4];
	[sflag:s9] =	ssyncadd.s32 $0xFFFF0000  }
0x17: {  	[tilespmem:s2], [sflag:$0x3] =	stream.linear.gather [hbm4b:s0+s2], $0x80, $0x38;
	[tilespmem:$0x10100] =	vst v63  }
0x18: {  	_ =	swait.ge [sflag:s9], $0x80  }
0x19: {  	s1 =	rddreg [dreg:$0x5];
	[sflag:s9] =	ssyncset.done $0x0  }
0x1a: {  	s21 =	rddreg [dreg:$0x6];
	[sflag:s9] =	ssyncadd.s32 $0xFFFFFF80  }
0x1b: {  	[tilespmem:s21], [sflag:$0x3] =	stream.linear.gather [hbm4b:s1+s2], $0x80, $0x38;
	[tilespmem:$0x10100] =	vst v63  }
0x1c: {  	_ =	swait.ge [sflag:s9], $0x80  }
0x1d: {  	[sflag:s9] =	ssyncset.done $0x0  }
0x1e: {  	[sflag:s9] =	ssyncadd.s32 $0xFFFFFF80  }
0x1f: {  	v3 =	vld [tilespmem:$0x0];
	_ =	sdelay $0x4  }
0x20: {  	v4 =	vshll.u32 v3, $0x3  }
0x21: {  	v3 =	vand.u32 $0x7, v3;
	v4 =	vand.u32 $0xFFFFFFC0, v4  }
0x22: {  	v3 =	vor.u32 v3, v4  }
0x23: {  	v4 =	vperm.xlane v3, v0;
	_ =	sdelay $0x1  }
0x24: {  	v4 =	vadd.s32 v1, v4;
	_ =	sdelay $0x4  }
0x25: {  	[hbm4b:s3+s2] =	stream.indirect_vreg.scatter [tilespmem:s18], [sflag:$0x1], $0x80, v4, vm0, $0xb8;
	[tilespmem:$0x10100] =	vst v63  }
0x26: {  	s20 =	simm.s32 $0x900;
	v3 =	vperm.xlane v3, v2  }
0x27: {  	[hbm4b:s4+s2] =	stream.indirect_vreg.scatter [tilespmem:s20], [sflag:$0x1], $0x80, v4, vm0, $0xb8;
	[tilespmem:$0x10100] =	vst v63  }
0x28: {  	s21 =	simm.s32 $0x1100;
	v3 =	vadd.s32 v1, v3  }
0x29: {  	[hbm4b:s5+s2] =	stream.indirect_vreg.scatter [tilespmem:s21], [sflag:$0x1], $0x80, v4, vm0, $0xb8;
	[tilespmem:$0x10100] =	vst v63  }
0x2a: {  	_ = 	snop  }
0x2b: {  	[hbm4b:s6+s2] =	stream.indirect_vreg.scatter [tilespmem:s22], [sflag:$0x1], $0x80, v4, vm0, $0xb8;
	[tilespmem:$0x10100] =	vst v63  }
0x2c: {  	_ = 	snop  }
0x2d: {  	[hbm4b:s3+s2] =	stream.indirect_vreg.scatter [tilespmem:s23], [sflag:$0x1], $0x80, v3, vm0, $0xb8;
	[tilespmem:$0x10100] =	vst v63  }
0x2e: {  	_ = 	snop  }
0x2f: {  	[hbm4b:s4+s2] =	stream.indirect_vreg.scatter [tilespmem:s24], [sflag:$0x1], $0x80, v3, vm0, $0xb8;
	[tilespmem:$0x10100] =	vst v63  }
0x30: {  	_ = 	snop  }
0x31: {  	[hbm4b:s5+s2] =	stream.indirect_vreg.scatter [tilespmem:s25], [sflag:$0x1], $0x80, v3, vm0, $0xb8;
	[tilespmem:$0x10100] =	vst v63  }
0x32: {  	_ = 	snop  }
0x33: {  	[hbm4b:s6+s2] =	stream.indirect_vreg.scatter [tilespmem:s26], [sflag:$0x1], $0x80, v3, vm0, $0xb8;
	[tilespmem:$0x10100] =	vst v63  }
0x34: {  	v3 =	vld [tilespmem:$0x10];
	_ =	sdelay $0x4  }
0x35: {  	v57 =	vshll.u32 v3, $0x3  }
0x36: {  	v3 =	vand.u32 $0x7, v3;
	v4 =	vand.u32 $0xFFFFFFC0, v57  }
0x37: {  	v3 =	vor.u32 v3, v4  }
0x38: {  	v4 =	vperm.xlane v3, v0;
	_ =	sdelay $0x1  }
0x39: {  	v4 =	vadd.s32 v1, v4;
	_ =	sdelay $0x4  }
0x3a: {  	[hbm4b:s3+s2] =	stream.indirect_vreg.scatter [tilespmem:s28], [sflag:$0x1], $0x80, v4, vm0, $0xb8;
	[tilespmem:$0x10100] =	vst v63  }
0x3b: {  	v3 =	vperm.xlane v3, v2  }
0x3c: {  	[hbm4b:s4+s2] =	stream.indirect_vreg.scatter [tilespmem:s29], [sflag:$0x1], $0x80, v4, vm0, $0xb8;
	[tilespmem:$0x10100] =	vst v63  }
0x3d: {  	v3 =	vadd.s32 v1, v3  }
0x3e: {  	[hbm4b:s5+s2] =	stream.indirect_vreg.scatter [tilespmem:s30], [sflag:$0x1], $0x80, v4, vm0, $0xb8;
	[tilespmem:$0x10100] =	vst v63  }
0x3f: {  	_ = 	snop  }
0x40: {  	[hbm4b:s6+s2] =	stream.indirect_vreg.scatter [tilespmem:s31], [sflag:$0x1], $0x80, v4, vm0, $0xb8;
	[tilespmem:$0x10100] =	vst v63  }
0x41: {  	s1 =	simm.s32 $0x6100  }
0x42: {  	[hbm4b:s3+s2] =	stream.indirect_vreg.scatter [tilespmem:s1], [sflag:$0x1], $0x80, v3, vm0, $0xb8;
	[tilespmem:$0x10100] =	vst v63  }
0x43: {  	s0 =	simm.s32 $0x6900  }
0x44: {  	[hbm4b:s4+s2] =	stream.indirect_vreg.scatter [tilespmem:s0], [sflag:$0x1], $0x80, v3, vm0, $0xb8;
	[tilespmem:$0x10100] =	vst v63  }
0x45: {  	_ = 	snop  }
0x46: {  	[hbm4b:s5+s2] =	stream.indirect_vreg.scatter [tilespmem:s10], [sflag:$0x1], $0x80, v3, vm0, $0xb8;
	[tilespmem:$0x10100] =	vst v63  }
0x47: {  	_ = 	snop  }
0x48: {  	[hbm4b:s6+s2] =	stream.indirect_vreg.scatter [tilespmem:s11], [sflag:$0x1], $0x80, v3, vm0, $0xb8;
	[tilespmem:$0x10100] =	vst v63  }
0x49: {  	v3 =	vld [tilespmem:$0x20];
	_ =	sdelay $0x4  }
0x4a: {  	v58 =	vshll.u32 v3, $0x3  }
0x4b: {  	v3 =	vand.u32 $0x7, v3;
	v4 =	vand.u32 $0xFFFFFFC0, v58  }
0x4c: {  	v3 =	vor.u32 v3, v4  }
0x4d: {  	v4 =	vperm.xlane v3, v0;
	_ =	sdelay $0x1  }
0x4e: {  	v4 =	vadd.s32 v1, v4;
	_ =	sdelay $0x4  }
0x4f: {  	[hbm4b:s3+s2] =	stream.indirect_vreg.scatter [tilespmem:s12], [sflag:$0x1], $0x80, v4, vm0, $0xb8;
	[tilespmem:$0x10100] =	vst v63  }
0x50: {  	v3 =	vperm.xlane v3, v2  }
0x51: {  	[hbm4b:s4+s2] =	stream.indirect_vreg.scatter [tilespmem:s13], [sflag:$0x1], $0x80, v4, vm0, $0xb8;
	[tilespmem:$0x10100] =	vst v63  }
0x52: {  	v3 =	vadd.s32 v1, v3  }
0x53: {  	[hbm4b:s5+s2] =	stream.indirect_vreg.scatter [tilespmem:s14], [sflag:$0x1], $0x80, v4, vm0, $0xb8;
	[tilespmem:$0x10100] =	vst v63  }
0x54: {  	_ = 	snop  }
0x55: {  	[hbm4b:s6+s2] =	stream.indirect_vreg.scatter [tilespmem:s15], [sflag:$0x1], $0x80, v4, vm0, $0xb8;
	[tilespmem:$0x10100] =	vst v63  }
0x56: {  	_ = 	snop  }
0x57: {  	[hbm4b:s3+s2] =	stream.indirect_vreg.scatter [tilespmem:s16], [sflag:$0x1], $0x80, v3, vm0, $0xb8;
	[tilespmem:$0x10100] =	vst v63  }
0x58: {  	_ = 	snop  }
0x59: {  	[hbm4b:s4+s2] =	stream.indirect_vreg.scatter [tilespmem:s17], [sflag:$0x1], $0x80, v3, vm0, $0xb8;
	[tilespmem:$0x10100] =	vst v63  }
0x5a: {  	_ = 	snop  }
0x5b: {  	[hbm4b:s5+s2] =	stream.indirect_vreg.scatter [tilespmem:s8], [sflag:$0x1], $0x80, v3, vm0, $0xb8;
	[tilespmem:$0x10100] =	vst v63  }
0x5c: {  	_ = 	snop  }
0x5d: {  	[hbm4b:s6+s2] =	stream.indirect_vreg.scatter [tilespmem:s19], [sflag:$0x1], $0x80, v3, vm0, $0xb8;
	[tilespmem:$0x10100] =	vst v63  }
0x5e: {  	v3 =	vld [tilespmem:$0x30];
	_ =	sdelay $0x4  }
0x5f: {  	v59 =	vshll.u32 v3, $0x3  }
0x60: {  	v3 =	vand.u32 $0x7, v3;
	v4 =	vand.u32 $0xFFFFFFC0, v59  }
0x61: {  	v3 =	vor.u32 v3, v4  }
0x62: {  	v4 =	vperm.xlane v3, v0;
	_ =	sdelay $0x1  }
0x63: {  	v4 =	vadd.s32 v1, v4;
	_ =	sdelay $0x3  }
0x64: {  	s0 =	simm.s32 $0xC100  }
0x65: {  	[hbm4b:s3+s2] =	stream.indirect_vreg.scatter [tilespmem:s0], [sflag:$0x1], $0x80, v4, vm0, $0xb8;
	[tilespmem:$0x10100] =	vst v63  }
0x66: {  	v3 =	vperm.xlane v3, v2;
	s0 =	simm.s32 $0xC900  }
0x67: {  	[hbm4b:s4+s2] =	stream.indirect_vreg.scatter [tilespmem:s0], [sflag:$0x1], $0x80, v4, vm0, $0xb8;
	[tilespmem:$0x10100] =	vst v63  }
0x68: {  	v3 =	vadd.s32 v1, v3;
	s0 =	simm.s32 $0xD100  }
0x69: {  	[hbm4b:s5+s2] =	stream.indirect_vreg.scatter [tilespmem:s0], [sflag:$0x1], $0x80, v4, vm0, $0xb8;
	[tilespmem:$0x10100] =	vst v63  }
0x6a: {  	s0 =	simm.s32 $0xD900  }
0x6b: {  	[hbm4b:s6+s2] =	stream.indirect_vreg.scatter [tilespmem:s0], [sflag:$0x1], $0x80, v4, vm0, $0xb8;
	[tilespmem:$0x10100] =	vst v63  }
0x6c: {  	s0 =	simm.s32 $0xE100  }
0x6d: {  	[hbm4b:s3+s2] =	stream.indirect_vreg.scatter [tilespmem:s0], [sflag:$0x1], $0x80, v3, vm0, $0xb8;
	[tilespmem:$0x10100] =	vst v63  }
0x6e: {  	s0 =	simm.s32 $0xE900  }
0x6f: {  	[hbm4b:s4+s2] =	stream.indirect_vreg.scatter [tilespmem:s0], [sflag:$0x1], $0x80, v3, vm0, $0xb8;
	[tilespmem:$0x10100] =	vst v63  }
0x70: {  	s0 =	simm.s32 $0xF100  }
0x71: {  	[hbm4b:s5+s2] =	stream.indirect_vreg.scatter [tilespmem:s0], [sflag:$0x1], $0x80, v3, vm0, $0xb8;
	[tilespmem:$0x10100] =	vst v63  }
0x72: {  	s0 =	simm.s32 $0xF900  }
0x73: {  	[hbm4b:s6+s2] =	stream.indirect_vreg.scatter [tilespmem:s0], [sflag:$0x1], $0x80, v3, vm0, $0xb8;
	[tilespmem:$0x10100] =	vst v63  }
0x74: {  	v3 =	vld [tilespmem:$0x80];
	_ =	sdelay $0x4  }
0x75: {  	v60 =	vshll.u32 v3, $0x3  }
0x76: {  	v3 =	vand.u32 $0x7, v3;
	v4 =	vand.u32 $0xFFFFFFC0, v60  }
0x77: {  	v3 =	vor.u32 v3, v4  }
0x78: {  	v4 =	vperm.xlane v3, v0;
	_ =	sdelay $0x1  }
0x79: {  	v4 =	vadd.s32 v1, v4;
	_ =	sdelay $0x4  }
0x7a: {  	[hbm4b:s3+s2] =	stream.indirect_vreg.scatter [tilespmem:s18], [sflag:$0x2], $0x80, v4, vm0, $0xb8;
	[tilespmem:$0x10100] =	vst v63  }
0x7b: {  	v3 =	vperm.xlane v3, v2  }
0x7c: {  	[hbm4b:s4+s2] =	stream.indirect_vreg.scatter [tilespmem:s20], [sflag:$0x2], $0x80, v4, vm0, $0xb8;
	[tilespmem:$0x10100] =	vst v63  }
0x7d: {  	v3 =	vadd.s32 v1, v3  }
0x7e: {  	[hbm4b:s5+s2] =	stream.indirect_vreg.scatter [tilespmem:s21], [sflag:$0x2], $0x80, v4, vm0, $0xb8;
	[tilespmem:$0x10100] =	vst v63  }
0x7f: {  	_ = 	snop  }
0x80: {  	[hbm4b:s6+s2] =	stream.indirect_vreg.scatter [tilespmem:s22], [sflag:$0x2], $0x80, v4, vm0, $0xb8;
	[tilespmem:$0x10100] =	vst v63  }
0x81: {  	_ = 	snop  }
0x82: {  	[hbm4b:s3+s2] =	stream.indirect_vreg.scatter [tilespmem:s23], [sflag:$0x2], $0x80, v3, vm0, $0xb8;
	[tilespmem:$0x10100] =	vst v63  }
0x83: {  	_ = 	snop  }
0x84: {  	[hbm4b:s4+s2] =	stream.indirect_vreg.scatter [tilespmem:s24], [sflag:$0x2], $0x80, v3, vm0, $0xb8;
	[tilespmem:$0x10100] =	vst v63  }
0x85: {  	_ = 	snop  }
0x86: {  	[hbm4b:s5+s2] =	stream.indirect_vreg.scatter [tilespmem:s25], [sflag:$0x2], $0x80, v3, vm0, $0xb8;
	[tilespmem:$0x10100] =	vst v63  }
0x87: {  	_ = 	snop  }
0x88: {  	[hbm4b:s6+s2] =	stream.indirect_vreg.scatter [tilespmem:s26], [sflag:$0x2], $0x80, v3, vm0, $0xb8;
	[tilespmem:$0x10100] =	vst v63  }
0x89: {  	v3 =	vld [tilespmem:$0x90];
	_ =	sdelay $0x4  }
0x8a: {  	v61 =	vshll.u32 v3, $0x3  }
0x8b: {  	v3 =	vand.u32 $0x7, v3;
	v4 =	vand.u32 $0xFFFFFFC0, v61  }
0x8c: {  	v3 =	vor.u32 v3, v4  }
0x8d: {  	v4 =	vperm.xlane v3, v0;
	_ =	sdelay $0x1  }
0x8e: {  	v4 =	vadd.s32 v1, v4;
	_ =	sdelay $0x4  }
0x8f: {  	[hbm4b:s3+s2] =	stream.indirect_vreg.scatter [tilespmem:s28], [sflag:$0x2], $0x80, v4, vm0, $0xb8;
	[tilespmem:$0x10100] =	vst v63  }
0x90: {  	v3 =	vperm.xlane v3, v2  }
0x91: {  	[hbm4b:s4+s2] =	stream.indirect_vreg.scatter [tilespmem:s29], [sflag:$0x2], $0x80, v4, vm0, $0xb8;
	[tilespmem:$0x10100] =	vst v63  }
0x92: {  	v3 =	vadd.s32 v1, v3  }
0x93: {  	[hbm4b:s5+s2] =	stream.indirect_vreg.scatter [tilespmem:s30], [sflag:$0x2], $0x80, v4, vm0, $0xb8;
	[tilespmem:$0x10100] =	vst v63  }
0x94: {  	_ = 	snop  }
0x95: {  	[hbm4b:s6+s2] =	stream.indirect_vreg.scatter [tilespmem:s31], [sflag:$0x2], $0x80, v4, vm0, $0xb8;
	[tilespmem:$0x10100] =	vst v63  }
0x96: {  	_ = 	snop  }
0x97: {  	[hbm4b:s3+s2] =	stream.indirect_vreg.scatter [tilespmem:s1], [sflag:$0x2], $0x80, v3, vm0, $0xb8;
	[tilespmem:$0x10100] =	vst v63  }
0x98: {  	s20 =	simm.s32 $0x6900  }
0x99: {  	[hbm4b:s4+s2] =	stream.indirect_vreg.scatter [tilespmem:s20], [sflag:$0x2], $0x80, v3, vm0, $0xb8;
	[tilespmem:$0x10100] =	vst v63  }
0x9a: {  	_ = 	snop  }
0x9b: {  	[hbm4b:s5+s2] =	stream.indirect_vreg.scatter [tilespmem:s10], [sflag:$0x2], $0x80, v3, vm0, $0xb8;
	[tilespmem:$0x10100] =	vst v63  }
0x9c: {  	_ = 	snop  }
0x9d: {  	[hbm4b:s6+s2] =	stream.indirect_vreg.scatter [tilespmem:s11], [sflag:$0x2], $0x80, v3, vm0, $0xb8;
	[tilespmem:$0x10100] =	vst v63  }
0x9e: {  	v3 =	vld [tilespmem:$0xA0];
	_ =	sdelay $0x4  }
0x9f: {  	v62 =	vshll.u32 v3, $0x3  }
0xa0: {  	v3 =	vand.u32 $0x7, v3;
	v4 =	vand.u32 $0xFFFFFFC0, v62  }
0xa1: {  	v3 =	vor.u32 v3, v4  }
0xa2: {  	v4 =	vperm.xlane v3, v0;
	_ =	sdelay $0x1  }
0xa3: {  	v4 =	vadd.s32 v1, v4;
	_ =	sdelay $0x4  }
0xa4: {  	[hbm4b:s3+s2] =	stream.indirect_vreg.scatter [tilespmem:s12], [sflag:$0x2], $0x80, v4, vm0, $0xb8;
	[tilespmem:$0x10100] =	vst v63  }
0xa5: {  	v3 =	vperm.xlane v3, v2  }
0xa6: {  	[hbm4b:s4+s2] =	stream.indirect_vreg.scatter [tilespmem:s13], [sflag:$0x2], $0x80, v4, vm0, $0xb8;
	[tilespmem:$0x10100] =	vst v63  }
0xa7: {  	v3 =	vadd.s32 v1, v3  }
0xa8: {  	[hbm4b:s5+s2] =	stream.indirect_vreg.scatter [tilespmem:s14], [sflag:$0x2], $0x80, v4, vm0, $0xb8;
	[tilespmem:$0x10100] =	vst v63  }
0xa9: {  	_ = 	snop  }
0xaa: {  	[hbm4b:s6+s2] =	stream.indirect_vreg.scatter [tilespmem:s15], [sflag:$0x2], $0x80, v4, vm0, $0xb8;
	[tilespmem:$0x10100] =	vst v63  }
0xab: {  	_ = 	snop  }
0xac: {  	[hbm4b:s3+s2] =	stream.indirect_vreg.scatter [tilespmem:s16], [sflag:$0x2], $0x80, v3, vm0, $0xb8;
	[tilespmem:$0x10100] =	vst v63  }
0xad: {  	_ = 	snop  }
0xae: {  	[hbm4b:s4+s2] =	stream.indirect_vreg.scatter [tilespmem:s17], [sflag:$0x2], $0x80, v3, vm0, $0xb8;
	[tilespmem:$0x10100] =	vst v63  }
0xaf: {  	_ = 	snop  }
0xb0: {  	[hbm4b:s5+s2] =	stream.indirect_vreg.scatter [tilespmem:s8], [sflag:$0x2], $0x80, v3, vm0, $0xb8;
	[tilespmem:$0x10100] =	vst v63  }
0xb1: {  	_ = 	snop  }
0xb2: {  	[hbm4b:s6+s2] =	stream.indirect_vreg.scatter [tilespmem:s19], [sflag:$0x2], $0x80, v3, vm0, $0xb8;
	[tilespmem:$0x10100] =	vst v63  }
0xb3: {  	v3 =	vld [tilespmem:$0xB0];
	_ =	sdelay $0x4  }
0xb4: {  	v63 =	vshll.u32 v3, $0x3  }
0xb5: {  	v3 =	vand.u32 $0x7, v3;
	v4 =	vand.u32 $0xFFFFFFC0, v63  }
0xb6: {  	v3 =	vor.u32 v3, v4  }
0xb7: {  	v4 =	vperm.xlane v3, v0;
	_ =	sdelay $0x1  }
0xb8: {  	v4 =	vadd.s32 v1, v4;
	_ =	sdelay $0x3  }
0xb9: {  	s21 =	simm.s32 $0xC100  }
0xba: {  	[hbm4b:s3+s2] =	stream.indirect_vreg.scatter [tilespmem:s21], [sflag:$0x2], $0x80, v4, vm0, $0xb8;
	[tilespmem:$0x10100] =	vst v63  }
0xbb: {  	s20 =	simm.s32 $0xC900;
	v3 =	vperm.xlane v3, v2  }
0xbc: {  	[hbm4b:s4+s2] =	stream.indirect_vreg.scatter [tilespmem:s20], [sflag:$0x2], $0x80, v4, vm0, $0xb8;
	[tilespmem:$0x10100] =	vst v63  }
0xbd: {  	v3 =	vadd.s32 v1, v3;
	s21 =	simm.s32 $0xD100  }
0xbe: {  	[hbm4b:s5+s2] =	stream.indirect_vreg.scatter [tilespmem:s21], [sflag:$0x2], $0x80, v4, vm0, $0xb8;
	[tilespmem:$0x10100] =	vst v63  }
0xbf: {  	s20 =	simm.s32 $0xD900  }
0xc0: {  	[hbm4b:s6+s2] =	stream.indirect_vreg.scatter [tilespmem:s20], [sflag:$0x2], $0x80, v4, vm0, $0xb8;
	[tilespmem:$0x10100] =	vst v63  }
0xc1: {  	s21 =	simm.s32 $0xE100  }
0xc2: {  	[hbm4b:s3+s2] =	stream.indirect_vreg.scatter [tilespmem:s21], [sflag:$0x2], $0x80, v3, vm0, $0xb8;
	[tilespmem:$0x10100] =	vst v63  }
0xc3: {  	s20 =	simm.s32 $0xE900  }
0xc4: {  	[hbm4b:s4+s2] =	stream.indirect_vreg.scatter [tilespmem:s20], [sflag:$0x2], $0x80, v3, vm0, $0xb8;
	[tilespmem:$0x10100] =	vst v63  }
0xc5: {  	s21 =	simm.s32 $0xF100  }
0xc6: {  	[hbm4b:s5+s2] =	stream.indirect_vreg.scatter [tilespmem:s21], [sflag:$0x2], $0x80, v3, vm0, $0xb8;
	[tilespmem:$0x10100] =	vst v63  }
0xc7: {  	s20 =	simm.s32 $0x1  }
0xc8: {  	[hbm4b:s6+s2] =	stream.indirect_vreg.scatter [tilespmem:s0], [sflag:$0x2], $0x80, v3, vm0, $0xb8;
	[tilespmem:$0x10100] =	vst v63  }
0xc9: {  	p0 =	sne.s32 s7, $0x1;
	_ =	swait.ge [sflag:s20], $0x10000  }
.Ltmp0:
0xca: {  	[sflag:s20] =	ssyncset.done $0x0;
	(pc) =	sbr.rel @p0 .LBB2_1-.Ltmp0, $4  }
0xcb: {  	s21 =	simm.s32 $0x2;
	[sflag:s20] =	ssyncadd.s32 $0xFFFF0000  }
0xcc: {  	_ =	swait.ge [sflag:s21], $0x10000  }
0xcd: {  	[sflag:s21] =	ssyncset.done $0x0  }
0xce: {  	s7 =	sadd.s32 $0xFFFFFFFF, s7;
	[sflag:s21] =	ssyncadd.s32 $0xFFFF0000  }
0xcf: {  	_ =	sfence.sel $0x180000  }
0xd0: {  	[bflag:$0x0] =	sbarrier.arrive $0xFFFF  }
0xd1: {  	_ =	strace $0x9000004A  }
0xd2: {  	s0 =	stileid.u32;
	[bflag:$0x2] =	sbarrier.arrive $0xFFFF  }
0xd3: {  	p0 =	sne.s32 s0, $0x0;
	s0 =	rddreg [dreg:$0x2]  }
0xd4: {  	s0 =	sadd.s32 @!p0 $0x100000, s0  }
0xd5: {  	[sflag:s0] =	ssyncadd.tile.s32 @!p0 $0x1;
	_ =	shalt  }
.Lfunc_end2:
_tile_overlayer_lowered:
.L_overlay_start_2:
0xd6: {  	(tag) =	ssettag $0x2  }
0xd7: {  	s0 =	rddreg [dreg:$0x0];
	s2 =	stileid.u32  }
0xd8: {  	s1 =	rddreg [dreg:$0x1];
	p0 =	sne.s32 s2, $0x0  }
0xd9: {  	s3 =	rddreg [dreg:$0x2];
	[bflag:$0x3] =	sbarrier.arrive $0xFFFF;
	s2 =	simm.s32 @!p0 $0x1C03  }
0xda: {  	[timem:s3], [sflag:s2] =	dma.local @!p0 [hbm:s0], s1  }
0xdb: {  	s0 =	simm.s32 @!p0 $0x3  }
0xdc: {  	_ =	swait.ge @!p0 [sflag:s0], s1  }
0xdd: {  	s1 =	ssub.s32 @!p0 $0x0, s1;
	[sflag:s0] =	ssyncset.done @!p0 $0x0  }
0xde: {  	[sflag:s0] =	ssyncadd.s32 @!p0 s1  }
0xdf: {  	[bflag:$0x3] =	sbarrier.arrive $0xFFFF  }
0xe0: {  	_ =	shalt  }

// kernel: kernel.9.cloned.1.call-start
scs
__scs_entry_jumppad:
0x0: {  	(pc) =	sbr.rel $0x88, $3  }
0x1: {  	(tag) =	ssettag $0x0;
	lr =	simm.s32 $0x1  }
0x2: {  	[smem:$0x3F9B] =	sst lr;
	_ =	strace $0xD0000000  }
0x3: {  	_ = 	snop  }
0x4: {  	_ = 	snop  }
0x5: {  	_ = 	snop  }
0x6: {  	_ = 	snop  }
0x7: {  	_ = 	snop  }
__scs_overlays_trampoline_lowered:
0x8: {  	[smem:$0x3FAA] =	sst s0  }
0x9: {  	[smem:$0x3FAB] =	sst s1  }
0xa: {  	[smem:$0x3FAC] =	sst s2  }
0xb: {  	[smem:$0x3FAD] =	sst s3  }
0xc: {  	[smem:$0x3FAE] =	sst s4  }
0xd: {  	[smem:$0x3FAF] =	sst s5  }
0xe: {  	[smem:$0x3FB0] =	sst s6  }
0xf: {  	[smem:$0x3FB1] =	sst s7  }
0x10: {  	[smem:$0x3FB2] =	sst s8  }
0x11: {  	[smem:$0x3FB3] =	sst s9;
	s0 =	simm.s32 @!p0 $0x0  }
0x12: {  	s1 =	sld [smem:$0x3F99];
	s0 =	simm.s32 @p0 $0x1  }
0x13: {  	[smem:$0x3FB4] =	sst s0;
	s0 =	simm.s32 @!p1 $0x0  }
0x14: {  	s2 =	sld [smem:$0x3F98];
	s0 =	simm.s32 @p1 $0x1  }
0x15: {  	[smem:$0x3FB5] =	sst s0;
	s0 =	simm.s32 @!p2 $0x0  }
0x16: {  	s3 =	sld [smem:$0x3FDB];
	s0 =	simm.s32 @p2 $0x1  }
0x17: {  	s4 =	simm.s32 $0x1BF5;
	[smem:$0x3FB7] =	sst s0  }
0x18: {  	s0 =	sld [smem:$0x3F9A];
	_ =	swait.ge [sflag:s4], $0x0  }
0x19: {  	s7 =	sld [smem:$0x3F9B]  }
0x1a: {  	s8 =	sadd.s32 $0xFFFFE003, lr  }
0x1b: {  	s9 =	sadd.s32 $0xFFFFFEF7, lr;
	s5 =	simm.s32 $0xFFFFFFFF;
	p2 =	slt.u32 s8, $0xFFFFF086  }
0x1c: {  	p1 =	slt.u32 s9, $0xF7A;
	s5 =	simm.s32 @!p2 $0x0  }
0x1d: {  	s5 =	simm.s32 @p1 $0x1;
	p0 =	seq.s32 s7, s2  }
0x1e: {  	s7 =	smul.u32 @!p0 $0xF7A, s2;
	p2 =	seq.s32 @!p0 s5, $0x0  }
0x1f: {  	s9 =	smul.u32 $0xF7A, s1;
	s8 =	simm.s32 @!p0 $0x1BF5;
	p2 =	por !p2, p0  }
0x20: {  	[sflag:s8] =	ssyncset.s32 @!p0 $0xFFFFF086;
	s6 =	sadd.s32 @!p0 s3, s7;
	s7 =	simm.s32 @!p0 $0x108  }
0x21: {  	s3 =	sadd.s32 s3, s9;
	s6 =	sadd.s32 @!p0 $0x88, s6;
	s7 =	simm.s32 @p2 $0x1082  }
0x22: {  	[simem:s7], [sflag:s8] =	dma.local @!p0 [hbm:s6], $0xF7A  }
0x23: {  	s9 =	sor.u32 $0xD0000000, s2;
	s6 =	simm.s32 $0x108;
	_ =	swait.ge @!p0 [sflag:s8], $0x0  }
0x24: {  	s3 =	sadd.s32 $0x88, s3;
	s6 =	simm.s32 @!p1 $0x1082;
	[sflag:s4] =	ssyncset.s32 $0xFFFFF086  }
0x25: {  	[simem:s6], [sflag:s4] =	dma.local [hbm:s3], $0xF7A  }
0x26: {  	[smem:$0x3F9B] =	sst s1;
	(tag) =	ssettag s2;
	_ =	strace s9  }
0x27: {  	s1 =	sld [smem:$0x3FAB]  }
0x28: {  	s2 =	sld [smem:$0x3FAC]  }
0x29: {  	s4 =	sld [smem:$0x3FAE]  }
0x2a: {  	p0 =	seq.s32 s5, $0x0;
	s5 =	sld [smem:$0x3FAF]  }
0x2b: {  	s6 =	sld [smem:$0x3FB0]  }
0x2c: {  	s7 =	sld [smem:$0x3FB1]  }
0x2d: {  	s3 =	simm.s32 $0x108;
	s8 =	sld [smem:$0x3FB2]  }
0x2e: {  	s3 =	simm.s32 @!p0 $0x1082;
	s9 =	sld [smem:$0x3FB3]  }
0x2f: {  	lr =	sadd.s32 s0, s3;
	s0 =	sld [smem:$0x3FAA]  }
0x30: {  	s3 =	sld [smem:$0x3FAD]  }
0x31: {  	[smem:$0x3FB6] =	sst s10  }
0x32: {  	s10 =	sld [smem:$0x3FB4];
	_ =	sdelay $0x3  }
0x33: {  	p0 =	seq.s32 s10, $0x1;
	s10 =	sld [smem:$0x3FB6];
	_ =	sdelay $0x3  }
0x34: {  	[smem:$0x3FB6] =	sst s10  }
0x35: {  	s10 =	sld [smem:$0x3FB5];
	_ =	sdelay $0x3  }
0x36: {  	p1 =	seq.s32 s10, $0x1;
	s10 =	sld [smem:$0x3FB6];
	_ =	sdelay $0x3  }
0x37: {  	[smem:$0x3FB6] =	sst s10  }
0x38: {  	s10 =	sld [smem:$0x3FB7]  }
0x39: {  	_ = 	snop;
	(pc) =	sbr.ind lr, $3  }
0x3a: {  	_ = 	snop  }
0x3b: {  	_ = 	snop  }
0x3c: {  	p2 =	seq.s32 s10, $0x1;
	s10 =	sld [smem:$0x3FB6]  }
0x3d: {  	_ =	shalt  }
0x3e: {  	_ =	shalt  }
0x3f: {  	_ =	shalt  }
0x40: {  	_ =	shalt  }
0x41: {  	_ =	shalt  }
0x42: {  	_ =	shalt  }
0x43: {  	_ =	shalt  }
0x44: {  	_ =	shalt  }
0x45: {  	_ =	shalt  }
0x46: {  	_ =	shalt  }
0x47: {  	_ =	shalt  }
0x48: {  	_ =	shalt  }
0x49: {  	_ =	shalt  }
0x4a: {  	_ =	shalt  }
0x4b: {  	_ =	shalt  }
0x4c: {  	_ =	shalt  }
0x4d: {  	_ =	shalt  }
0x4e: {  	_ =	shalt  }
0x4f: {  	_ =	shalt  }
0x50: {  	_ =	shalt  }
0x51: {  	_ =	shalt  }
0x52: {  	_ =	shalt  }
0x53: {  	_ =	shalt  }
0x54: {  	_ =	shalt  }
0x55: {  	_ =	shalt  }
0x56: {  	_ =	shalt  }
0x57: {  	_ =	shalt  }
0x58: {  	_ =	shalt  }
0x59: {  	_ =	shalt  }
0x5a: {  	_ =	shalt  }
0x5b: {  	_ =	shalt  }
0x5c: {  	_ =	shalt  }
0x5d: {  	_ =	shalt  }
0x5e: {  	_ =	shalt  }
0x5f: {  	_ =	shalt  }
0x60: {  	_ =	shalt  }
0x61: {  	_ =	shalt  }
0x62: {  	_ =	shalt  }
0x63: {  	_ =	shalt  }
0x64: {  	_ =	shalt  }
0x65: {  	_ =	shalt  }
0x66: {  	_ =	shalt  }
0x67: {  	_ =	shalt  }
0x68: {  	_ =	shalt  }
0x69: {  	_ =	shalt  }
0x6a: {  	_ =	shalt  }
0x6b: {  	_ =	shalt  }
0x6c: {  	_ =	shalt  }
0x6d: {  	_ =	shalt  }
0x6e: {  	_ =	shalt  }
0x6f: {  	_ =	shalt  }
0x70: {  	_ =	shalt  }
0x71: {  	_ =	shalt  }
0x72: {  	_ =	shalt  }
0x73: {  	_ =	shalt  }
0x74: {  	_ =	shalt  }
0x75: {  	_ =	shalt  }
0x76: {  	_ =	shalt  }
0x77: {  	_ =	shalt  }
0x78: {  	_ =	shalt  }
0x79: {  	_ =	shalt  }
0x7a: {  	_ =	shalt  }
0x7b: {  	_ =	shalt  }
0x7c: {  	_ =	shalt  }
0x7d: {  	_ =	shalt  }
0x7e: {  	_ =	shalt  }
0x7f: {  	_ =	shalt  }
0x80: {  	_ =	shalt  }
0x81: {  	_ =	shalt  }
0x82: {  	_ =	shalt  }
0x83: {  	_ =	shalt  }
0x84: {  	_ =	shalt  }
0x85: {  	_ =	shalt  }
0x86: {  	_ =	shalt  }
0x87: {  	_ =	shalt  }
.Lfunc_end0:
.L_simem_size_0:
called_computation.2_lowered:
.L_overlay_start_0:
0x88: {  	s2 =	sld [smem:$0x3FD9]  }
0x89: {  	s3 =	sld [smem:$0x3FFE];
	_ =	sdelay $0x1  }
0x8a: {  	s1 =	srdreg.scid  }
0x8b: {  	s0 =	sand.u32 $0x1, s1  }
0x8c: {  	s17 =	sshll.u32 s0, $0xA;
	s2 =	sadd.s32 s3, s2  }
0x8d: {  	s2 =	sadd.s32 s2, s17  }
0x8e: {  	[smem:$0x3FC2] =	sst s2  }
0x8f: {  	_ = 	snop  }
0x90: {  	s2 =	sld [smem:$0x3FD0];
	(tm) =	ssettm $0x1  }
0x91: {  	s18 =	sld [smem:$0x3FFB];
	_ =	sdelay $0x3  }
0x92: {  	_ =	strace s18  }
0x93: {  	s3 =	sld [smem:$0x3FFC];
	_ =	sdelay $0x3  }
0x94: {  	_ =	strace s3  }
0x95: {  	s3 =	sld [smem:$0x3FFD];
	_ =	sdelay $0x3  }
0x96: {  	_ =	strace s3  }
0x97: {  	_ =	strace $0x8FFFFFFF  }
0x98: {  	s19 =	sld [smem:$0x3FDB];
	_ =	sdelay $0x1  }
0x99: {  	s4 =	simm.s32 $_scs_section_size  }
0x9a: {  	s5 =	simm.s32 $_size__tile_overlayer_lowered;
	s6 =	simm.s32 $_tile_overlayer_lowered  }
0x9b: {  	s22 =	simm.s32 $0x1BFF;
	s21 =	sshll.u32 s6, $0x1;
	s3 =	sadd.s32 s4, s19  }
0x9c: {  	s7 =	simm.s32 $0x0;
	s20 =	sshll.u32 s5, $0x1;
	s5 =	sadd.s32 s21, s3  }
0x9d: {  	[timem:s7], [sflag:s22] =	dma.local [hbm:s5], s20  }
0x9e: {  	_ =	swait.ge [sflag:s22], s20  }
0x9f: {  	s4 =	ssub.s32 $0x0, s20;
	[sflag:s22] =	ssyncset.done $0x0  }
0xa0: {  	[sflag:s22] =	ssyncadd.s32 s4;
	_ =	sdelay $0x1  }
0xa1: {  	s23 =	simm.s32 $0x1B8B  }
0xa2: {  	_ =	swait.ge [sflag:s23], $0x1  }
0xa3: {  	[sflag:s23] =	ssyncset.done $0x0  }
0xa4: {  	s25 =	simm.s32 $0x1B8E;
	s24 =	sld [smem:$0x3FFE];
	[sflag:s23] =	ssyncadd.s32 $0xFFFFFFFF  }
0xa5: {  	s26 =	simm.s32 $execute0_lowered;
	[smem:$0x3FD2] =	sst s25  }
0xa6: {  	s5 =	sshll.u32 s26, $0x1;
	_ =	strace $0x8000004C;
	[dreg:$0x1] =	wrdreg $0xFFFFFFFF  }
0xa7: {  	s28 =	simm.s32 $_size_execute0_lowered;
	s3 =	sadd.s32 s3, s5;
	[dreg:$0x0] =	wrdreg $0x0  }
0xa8: {  	s5 =	sshll.u32 s28, $0x1;
	[dreg:$0x2] =	wrdreg s3  }
0xa9: {  	[dreg:$0x3] =	wrdreg s5  }
0xaa: {  	[dreg:$0x4] =	wrdreg $0xC0  }
0xab: {  	_ =	task [dreg:s7], $0x5FFFF  }
0xac: {  	[dreg:$0x1] =	wrdreg $0xFFFFFFFF  }
0xad: {  	[dreg:$0x0] =	wrdreg $0x60  }
0xae: {  	[dreg:$0x2] =	wrdreg s24  }
0xaf: {  	[dreg:$0x3] =	wrdreg s2  }
0xb0: {  	[dreg:$0x4] =	wrdreg $0x9  }
0xb1: {  	_ =	task.clear_ibuf [dreg:s7], $0x5FFFF;
	_ =	strace $0x9000004C  }
0xb2: {  	s29 =	simm.s32 $0x9;
	_ =	strace $0x8000004E  }
0xb3: {  	_ =	swait.ge [sflag:s29], $0x1  }
0xb4: {  	[sflag:s29] =	ssyncadd.s32 $0xFFFFFFFF  }
0xb5: {  	_ =	strace $0x9000004E  }
0xb6: {  	_ =	sfence  }
0xb7: {  	s30 =	sld [smem:$0x0];
	_ =	sdelay $0x2  }
0xb8: {  	s31 =	sshll.u32 s1, $0xD;
	s1 =	sshrl.u32 s1, $0x2  }
0xb9: {  	s3 =	sand.u32 $0x4000, s31;
	s1 =	sadd.s32 s1, s30  }
0xba: {  	s0 =	sor.u32 s3, s0;
	s1 =	sshll.u32 s1, $0x11  }
0xbb: {  	s0 =	sor.u32 s1, s0  }
0xbc: {  	s0 =	sadd.s32 $0x8F2B, s0  }
0xbd: {  	[sflag:s0] =	ssyncadd.remote.s32 $0x1  }
0xbe: {  	_ =	sfence.sel $0xFFFF  }
0xbf: {  	[dreg:$0x0] =	wrdreg $0xFFFFFFFF;
	(pc) =	sbr.abs _section_cstart, $3  }
0xc0: {  	[dreg:$0x1] =	wrdreg $0xFFFFFFFF  }
0xc1: {  	_ =	task.clear_ibuf [dreg:s7], $0x2FFFF;
	_ =	strace $0x9FFFFFFF  }
0xc2: {  	(tm) =	ssettm $0x7FFFFFFF  }
0xc3: {  	_ =	shalt  }
tec
execute0_lowered:
.L_overlay_start_1:
0x0: {  	(tag) =	ssettag $0x1  }
0x1: {  	s0 =	rddreg [dreg:$0x0]  }
0x2: {  	s1 =	rddreg [dreg:$0x1];
	s2 =	simm.s32 $0x0  }
0x3: {  	s3 =	srdreg.scid;
	s5 =	stileid.u32;
	s14 =	simm.s32 $0x2  }
0x4: {  	s15 =	simm.s32 $0x100;
	s16 =	simm.s32 $0xA900;
	s17 =	simm.s32 $0xB900  }
0x5: {  	s12 =	simm.s32 $0xC100;
	s18 =	simm.s32 $0xC900;
	s13 =	simm.s32 $0xD100  }
0x6: {  	s19 =	simm.s32 $0xD900;
	s20 =	simm.s32 $0xE100;
	s21 =	simm.s32 $0xE900  }
0x7: {  	s22 =	simm.s32 $0xF100;
	s23 =	simm.s32 $0xF900;
	s24 =	simm.s32 $0x1  }
0x8: {  	[smem:$0x7FF] =	sst s2;
	s4 =	sand.u32 $0x1, s3;
	s3 =	sadd.s32 $0x4F3400, s0  }
0x9: {  	s5 =	sshll.u32 s5, $0x7;
	s8 =	sadd.s32 $0x1000, s0;
	s10 =	sadd.s32 $0xE00, s0  }
0xa: {  	s7 =	sadd.s32 $0x4F3700, s0;
	s6 =	sshll.u32 s4, $0x6;
	s4 =	ssub.s32 $0x2, s4  }
0xb: {  	_ =	strace $0x8000004D;
	s9 =	sor.u32 s6, s5;
	s25 =	sshrl.u32 s4, $0x1  }
0xc: {  	s5 =	sadd.s32 $0x4F3500, s0;
	s6 =	sadd.s32 $0x4F3600, s0;
	s11 =	sshrl.u32 s9, $0x3  }
0xd: {  	s4 =	ssub.s32 s4, s25;
	s28 =	sor.u32 $0x20, s9;
	s26 =	sadd.s32 s8, s11  }
0xe: {  	s9 =	sshll.u32 s9, $0x7;
	s11 =	sadd.s32 s10, s11;
	[dreg:$0x3] =	wrdreg s26  }
0xf: {  	s25 =	simm.s32 $0x0;
	s9 =	sadd.s32 s1, s9;
	[dreg:$0x4] =	wrdreg s11  }
0x10: {  	s29 =	sshrl.u32 s28, $0x3;
	s31 =	smax.u32 s4, $0x1;
	[dreg:$0x5] =	wrdreg s9  }
0x11: {  	s0 =	sshll.u32 s28, $0x7;
	s8 =	sadd.s32 s8, s29;
	[dreg:$0x9] =	wrdreg s31  }
0x12: {  	v2 =	vlaneseq.u32;
	s30 =	sadd.s32 s10, s29;
	s0 =	sadd.s32 s1, s0;
	[dreg:$0x6] =	wrdreg s8  }
0x13: {  	vm0 =	vmmov $0xffff;
	v1 =	vshrl.u32 v2, $0x3;
	s9 =	simm.s32 $0x9900;
	s10 =	simm.s32 $0xA100;
	[dreg:$0x7] =	wrdreg s30  }
0x14: {  	v0 =	vand.u32 $0x7, v2;
	v2 =	vor.u32 $0x8, v2;
	v1 =	vmul.u32 $0x8, v1;
	s11 =	simm.s32 $0xB100;
	[dreg:$0x8] =	wrdreg s0;
	s8 =	simm.s32 $0x9100  }
.LBB2_1:
0x15: {  	s0 =	rddreg [dreg:$0x3]  }
0x16: {  	[tilespmem:s2], [sflag:$0x2] =	stream.linear.gather [hbm4b:s0+s2], $0x20, $0x38;
	[tilespmem:$0x10100] =	vst v63  }
0x17: {  	_ =	swait.ge [sflag:s14], $0x20  }
0x18: {  	[sflag:s14] =	ssyncset.done $0x0  }
0x19: {  	[sflag:s14] =	ssyncadd.s32 $0xFFFFFFE0  }
0x1a: {  	v3 =	vld [tilespmem:$0x0];
	_ =	sdelay $0x4  }
0x1b: {  	v4 =	vshll.u32 v3, $0x3  }
0x1c: {  	v3 =	vand.u32 $0x7, v3;
	v4 =	vand.u32 $0xFFFFFFC0, v4  }
0x1d: {  	v3 =	vor.u32 v3, v4  }
0x1e: {  	v4 =	vperm.xlane v3, v0;
	_ =	sdelay $0x1  }
0x1f: {  	v4 =	vadd.s32 v1, v4;
	_ =	sdelay $0x4  }
0x20: {  	[tilespmem:s15], [sflag:$0x1] =	stream.indirect_vreg.gather [hbm4b:s3+s2], $0x80, v4, vm0, $0xb8;
	[tilespmem:$0x10100] =	vst v63  }
0x21: {  	s4 =	simm.s32 $0x900;
	v3 =	vperm.xlane v3, v2  }
0x22: {  	[tilespmem:s4], [sflag:$0x1] =	stream.indirect_vreg.gather [hbm4b:s5+s2], $0x80, v4, vm0, $0xb8;
	[tilespmem:$0x10100] =	vst v63  }
0x23: {  	s26 =	simm.s32 $0x1100;
	v3 =	vadd.s32 v1, v3  }
0x24: {  	[tilespmem:s26], [sflag:$0x1] =	stream.indirect_vreg.gather [hbm4b:s6+s2], $0x80, v4, vm0, $0xb8;
	[tilespmem:$0x10100] =	vst v63  }
0x25: {  	s1 =	simm.s32 $0x1900  }
0x26: {  	[tilespmem:s1], [sflag:$0x1] =	stream.indirect_vreg.gather [hbm4b:s7+s2], $0x80, v4, vm0, $0xb8;
	[tilespmem:$0x10100] =	vst v63  }
0x27: {  	s4 =	simm.s32 $0x2100  }
0x28: {  	[tilespmem:s4], [sflag:$0x1] =	stream.indirect_vreg.gather [hbm4b:s3+s2], $0x80, v3, vm0, $0xb8;
	[tilespmem:$0x10100] =	vst v63  }
0x29: {  	s26 =	simm.s32 $0x2900  }
0x2a: {  	[tilespmem:s26], [sflag:$0x1] =	stream.indirect_vreg.gather [hbm4b:s5+s2], $0x80, v3, vm0, $0xb8;
	[tilespmem:$0x10100] =	vst v63  }
0x2b: {  	s1 =	simm.s32 $0x3100  }
0x2c: {  	[tilespmem:s1], [sflag:$0x1] =	stream.indirect_vreg.gather [hbm4b:s6+s2], $0x80, v3, vm0, $0xb8;
	[tilespmem:$0x10100] =	vst v63  }
0x2d: {  	s4 =	simm.s32 $0x3900  }
0x2e: {  	[tilespmem:s4], [sflag:$0x1] =	stream.indirect_vreg.gather [hbm4b:s7+s2], $0x80, v3, vm0, $0xb8;
	[tilespmem:$0x10100] =	vst v63  }
0x2f: {  	v3 =	vld [tilespmem:$0x10];
	_ =	sdelay $0x4  }
0x30: {  	v4 =	vshll.u32 v3, $0x3  }
0x31: {  	v3 =	vand.u32 $0x7, v3;
	v4 =	vand.u32 $0xFFFFFFC0, v4  }
0x32: {  	v3 =	vor.u32 v3, v4  }
0x33: {  	v4 =	vperm.xlane v3, v0;
	_ =	sdelay $0x1  }
0x34: {  	v4 =	vadd.s32 v1, v4;
	_ =	sdelay $0x3  }
0x35: {  	s26 =	simm.s32 $0x4100  }
0x36: {  	[tilespmem:s26], [sflag:$0x1] =	stream.indirect_vreg.gather [hbm4b:s3+s2], $0x80, v4, vm0, $0xb8;
	[tilespmem:$0x10100] =	vst v63  }
0x37: {  	s1 =	simm.s32 $0x4900;
	v3 =	vperm.xlane v3, v2  }
0x38: {  	[tilespmem:s1], [sflag:$0x1] =	stream.indirect_vreg.gather [hbm4b:s5+s2], $0x80, v4, vm0, $0xb8;
	[tilespmem:$0x10100] =	vst v63  }
0x39: {  	s4 =	simm.s32 $0x5100;
	v3 =	vadd.s32 v1, v3  }
0x3a: {  	[tilespmem:s4], [sflag:$0x1] =	stream.indirect_vreg.gather [hbm4b:s6+s2], $0x80, v4, vm0, $0xb8;
	[tilespmem:$0x10100] =	vst v63  }
0x3b: {  	s26 =	simm.s32 $0x5900  }
0x3c: {  	[tilespmem:s26], [sflag:$0x1] =	stream.indirect_vreg.gather [hbm4b:s7+s2], $0x80, v4, vm0, $0xb8;
	[tilespmem:$0x10100] =	vst v63  }
0x3d: {  	s1 =	simm.s32 $0x6100  }
0x3e: {  	[tilespmem:s1], [sflag:$0x1] =	stream.indirect_vreg.gather [hbm4b:s3+s2], $0x80, v3, vm0, $0xb8;
	[tilespmem:$0x10100] =	vst v63  }
0x3f: {  	s4 =	simm.s32 $0x6900  }
0x40: {  	[tilespmem:s4], [sflag:$0x1] =	stream.indirect_vreg.gather [hbm4b:s5+s2], $0x80, v3, vm0, $0xb8;
	[tilespmem:$0x10100] =	vst v63  }
0x41: {  	s26 =	simm.s32 $0x7100  }
0x42: {  	[tilespmem:s26], [sflag:$0x1] =	stream.indirect_vreg.gather [hbm4b:s6+s2], $0x80, v3, vm0, $0xb8;
	[tilespmem:$0x10100] =	vst v63  }
0x43: {  	s1 =	simm.s32 $0x7900  }
0x44: {  	[tilespmem:s1], [sflag:$0x1] =	stream.indirect_vreg.gather [hbm4b:s7+s2], $0x80, v3, vm0, $0xb8;
	[tilespmem:$0x10100] =	vst v63  }
0x45: {  	s4 =	rddreg [dreg:$0x4];
	s1 =	simm.s32 $0x80  }
0x46: {  	[tilespmem:s1], [sflag:$0x2] =	stream.linear.gather [hbm4b:s4+s2], $0x20, $0x38;
	[tilespmem:$0x10100] =	vst v63  }
0x47: {  	_ =	swait.ge [sflag:s14], $0x20  }
0x48: {  	[sflag:s14] =	ssyncset.done $0x0  }
0x49: {  	[sflag:s14] =	ssyncadd.s32 $0xFFFFFFE0  }
0x4a: {  	v3 =	vld [tilespmem:$0x80];
	_ =	sdelay $0x4  }
0x4b: {  	v4 =	vshll.u32 v3, $0x3  }
0x4c: {  	v3 =	vand.u32 $0x7, v3;
	v4 =	vand.u32 $0xFFFFFFC0, v4  }
0x4d: {  	v3 =	vor.u32 v3, v4  }
0x4e: {  	v4 =	vperm.xlane v3, v0;
	_ =	sdelay $0x1  }
0x4f: {  	v4 =	vadd.s32 v1, v4;
	_ =	sdelay $0x3  }
0x50: {  	s26 =	simm.s32 $0x8100  }
0x51: {  	[tilespmem:s26], [sflag:$0x1] =	stream.indirect_vreg.gather [hbm4b:s3+s2], $0x80, v4, vm0, $0xb8;
	[tilespmem:$0x10100] =	vst v63  }
0x52: {  	s1 =	simm.s32 $0x8900;
	v3 =	vperm.xlane v3, v2  }
0x53: {  	[tilespmem:s1], [sflag:$0x1] =	stream.indirect_vreg.gather [hbm4b:s5+s2], $0x80, v4, vm0, $0xb8;
	[tilespmem:$0x10100] =	vst v63  }
0x54: {  	v3 =	vadd.s32 v1, v3  }
0x55: {  	[tilespmem:s8], [sflag:$0x1] =	stream.indirect_vreg.gather [hbm4b:s6+s2], $0x80, v4, vm0, $0xb8;
	[tilespmem:$0x10100] =	vst v63  }
0x56: {  	_ = 	snop  }
0x57: {  	[tilespmem:s9], [sflag:$0x1] =	stream.indirect_vreg.gather [hbm4b:s7+s2], $0x80, v4, vm0, $0xb8;
	[tilespmem:$0x10100] =	vst v63  }
0x58: {  	_ = 	snop  }
0x59: {  	[tilespmem:s10], [sflag:$0x1] =	stream.indirect_vreg.gather [hbm4b:s3+s2], $0x80, v3, vm0, $0xb8;
	[tilespmem:$0x10100] =	vst v63  }
0x5a: {  	_ = 	snop  }
0x5b: {  	[tilespmem:s16], [sflag:$0x1] =	stream.indirect_vreg.gather [hbm4b:s5+s2], $0x80, v3, vm0, $0xb8;
	[tilespmem:$0x10100] =	vst v63  }
0x5c: {  	_ = 	snop  }
0x5d: {  	[tilespmem:s11], [sflag:$0x1] =	stream.indirect_vreg.gather [hbm4b:s6+s2], $0x80, v3, vm0, $0xb8;
	[tilespmem:$0x10100] =	vst v63  }
0x5e: {  	_ = 	snop  }
0x5f: {  	[tilespmem:s17], [sflag:$0x1] =	stream.indirect_vreg.gather [hbm4b:s7+s2], $0x80, v3, vm0, $0xb8;
	[tilespmem:$0x10100] =	vst v63  }
0x60: {  	v3 =	vld [tilespmem:$0x90];
	_ =	sdelay $0x4  }
0x61: {  	v4 =	vshll.u32 v3, $0x3  }
0x62: {  	v3 =	vand.u32 $0x7, v3;
	v4 =	vand.u32 $0xFFFFFFC0, v4  }
0x63: {  	v3 =	vor.u32 v3, v4  }
0x64: {  	v4 =	vperm.xlane v3, v0;
	_ =	sdelay $0x1  }
0x65: {  	v4 =	vadd.s32 v1, v4;
	_ =	sdelay $0x4  }
0x66: {  	[tilespmem:s12], [sflag:$0x1] =	stream.indirect_vreg.gather [hbm4b:s3+s2], $0x80, v4, vm0, $0xb8;
	[tilespmem:$0x10100] =	vst v63  }
0x67: {  	v3 =	vperm.xlane v3, v2  }
0x68: {  	[tilespmem:s18], [sflag:$0x1] =	stream.indirect_vreg.gather [hbm4b:s5+s2], $0x80, v4, vm0, $0xb8;
	[tilespmem:$0x10100] =	vst v63  }
0x69: {  	v3 =	vadd.s32 v1, v3  }
0x6a: {  	[tilespmem:s13], [sflag:$0x1] =	stream.indirect_vreg.gather [hbm4b:s6+s2], $0x80, v4, vm0, $0xb8;
	[tilespmem:$0x10100] =	vst v63  }
0x6b: {  	_ = 	snop  }
0x6c: {  	[tilespmem:s19], [sflag:$0x1] =	stream.indirect_vreg.gather [hbm4b:s7+s2], $0x80, v4, vm0, $0xb8;
	[tilespmem:$0x10100] =	vst v63  }
0x6d: {  	_ = 	snop  }
0x6e: {  	[tilespmem:s20], [sflag:$0x1] =	stream.indirect_vreg.gather [hbm4b:s3+s2], $0x80, v3, vm0, $0xb8;
	[tilespmem:$0x10100] =	vst v63  }
0x6f: {  	_ = 	snop  }
0x70: {  	[tilespmem:s21], [sflag:$0x1] =	stream.indirect_vreg.gather [hbm4b:s5+s2], $0x80, v3, vm0, $0xb8;
	[tilespmem:$0x10100] =	vst v63  }
0x71: {  	_ = 	snop  }
0x72: {  	[tilespmem:s22], [sflag:$0x1] =	stream.indirect_vreg.gather [hbm4b:s6+s2], $0x80, v3, vm0, $0xb8;
	[tilespmem:$0x10100] =	vst v63  }
0x73: {  	_ = 	snop  }
0x74: {  	[tilespmem:s23], [sflag:$0x1] =	stream.indirect_vreg.gather [hbm4b:s7+s2], $0x80, v3, vm0, $0xb8;
	[tilespmem:$0x10100] =	vst v63  }
0x75: {  	_ =	swait.ge [sflag:s24], $0x8000  }
0x76: {  	s28 =	simm.s32 $0x0;
	s0 =	sand.u32 $0x70, s2;
	[sflag:s24] =	ssyncset.done $0x0  }
0x77: {  	s4 =	simm.s32 $0x0;
	s26 =	sand.u32 $0x1C00, s2;
	[sflag:s24] =	ssyncadd.s32 $0xFFFF8000  }
0x78: {  	s0 =	sor.u32 s26, s0;
	s1 =	sand.u32 $0x6000, s4;
	_ =	swait.ge [sflag:s24], $0x8000  }
0x79: {  	s4 =	sand.u32 $0x380, s28;
	s0 =	sor.u32 s1, s0;
	[sflag:s24] =	ssyncset.done $0x0  }
0x7a: {  	s26 =	sor.u32 s4, s0;
	[sflag:s24] =	ssyncadd.s32 $0xFFFF8000  }
0x7b: {  	v3 =	vld [tilespmem:s26+$0x8100]  }
0x7c: {  	v4 =	vld [tilespmem:s26+$0x100];
	_ =	sdelay $0x1  }
0x7d: {  	s31 =	simm.s32 $0x2;
	s29 =	simm.s32 $0x80;
	s28 =	simm.s32 $0x10  }
0x7e: {  	s30 =	sand.u32 $0x1C00, s29;
	s1 =	sand.u32 $0x70, s28;
	s4 =	simm.s32 $0x10  }
0x7f: {  	s1 =	sor.u32 s30, s1;
	s30 =	simm.s32 $0x2;
	s0 =	sand.u32 $0x6000, s4  }
.LBB2_2:
0x80: {  	p0 =	sne.s32 s30, $0x7FF;
	s31 =	sand.u32 $0x380, s31;
	s0 =	sor.u32 s0, s1;
	v4 =	vadd.f32 v3, v4  }
0x81: {  	s0 =	sor.u32 s31, s0  }
0x82: {  	v3 =	vld [tilespmem:s0+$0x8100];
	[tilespmem:s26+$0x100] =	vst v4;
	s26 =	smov.u32 s0  }
.Ltmp0:
0x83: {  	v4 =	vld [tilespmem:s26+$0x100];
	(pc) =	sbr.rel @p0 .LBB2_2-.Ltmp0, $4  }
0x84: {  	_ = 	snop  }
0x85: {  	s28 =	sadd.s32 $0x10, s28;
	s29 =	sadd.s32 $0x80, s29;
	s31 =	sshll.u32 s30, $0x1  }
0x86: {  	s1 =	sand.u32 $0x70, s28;
	s4 =	sand.u32 $0x1C00, s29;
	s0 =	sshll.u32 s30, $0x4  }
0x87: {  	s1 =	sor.u32 s4, s1;
	s30 =	sadd.s32 $0x1, s30;
	s0 =	sand.u32 $0x6000, s0  }
0x88: {  	s4 =	sand.u32 $0x380, s31;
	s0 =	sor.u32 s0, s1;
	v3 =	vadd.f32 v3, v4  }
0x89: {  	s0 =	sor.u32 s4, s0  }
0x8a: {  	v4 =	vld [tilespmem:s0+$0x8100];
	[tilespmem:s26+$0x100] =	vst v3  }
0x8b: {  	v3 =	vld [tilespmem:s0+$0x100];
	_ =	sdelay $0x4  }
0x8c: {  	v3 =	vadd.f32 v4, v3;
	_ =	sdelay $0x1  }
0x8d: {  	s4 =	rddreg [dreg:$0x5];
	s26 =	simm.s32 $0x0;
	[tilespmem:s0+$0x100] =	vst v3  }
0x8e: {  	[hbm4b:s4+s26] =	stream.linear.scatter [tilespmem:s15], [sflag:$0x2], $0x8000, $0x38;
	[tilespmem:$0x10100] =	vst v63  }
0x8f: {  	_ =	swait.ge [sflag:s14], $0x8000  }
0x90: {  	[sflag:s14] =	ssyncset.done $0x0  }
0x91: {  	s1 =	rddreg [dreg:$0x6];
	[sflag:s14] =	ssyncadd.s32 $0xFFFF8000  }
0x92: {  	[tilespmem:s26], [sflag:$0x2] =	stream.linear.gather [hbm4b:s1+s26], $0x20, $0x38;
	[tilespmem:$0x10100] =	vst v63  }
0x93: {  	_ =	swait.ge [sflag:s14], $0x20  }
0x94: {  	[sflag:s14] =	ssyncset.done $0x0  }
0x95: {  	[sflag:s14] =	ssyncadd.s32 $0xFFFFFFE0  }
0x96: {  	v3 =	vld [tilespmem:$0x0];
	_ =	sdelay $0x4  }
0x97: {  	v4 =	vshll.u32 v3, $0x3  }
0x98: {  	v3 =	vand.u32 $0x7, v3;
	v4 =	vand.u32 $0xFFFFFFC0, v4  }
0x99: {  	v3 =	vor.u32 v3, v4  }
0x9a: {  	v4 =	vperm.xlane v3, v0;
	_ =	sdelay $0x1  }
0x9b: {  	v4 =	vadd.s32 v1, v4;
	_ =	sdelay $0x4  }
0x9c: {  	[tilespmem:s15], [sflag:$0x1] =	stream.indirect_vreg.gather [hbm4b:s3+s26], $0x80, v4, vm0, $0xb8;
	[tilespmem:$0x10100] =	vst v63  }
0x9d: {  	s4 =	simm.s32 $0x900;
	v3 =	vperm.xlane v3, v2  }
0x9e: {  	[tilespmem:s4], [sflag:$0x1] =	stream.indirect_vreg.gather [hbm4b:s5+s26], $0x80, v4, vm0, $0xb8;
	[tilespmem:$0x10100] =	vst v63  }
0x9f: {  	s1 =	simm.s32 $0x1100;
	v3 =	vadd.s32 v1, v3  }
0xa0: {  	[tilespmem:s1], [sflag:$0x1] =	stream.indirect_vreg.gather [hbm4b:s6+s26], $0x80, v4, vm0, $0xb8;
	[tilespmem:$0x10100] =	vst v63  }
0xa1: {  	s4 =	simm.s32 $0x1900  }
0xa2: {  	[tilespmem:s4], [sflag:$0x1] =	stream.indirect_vreg.gather [hbm4b:s7+s26], $0x80, v4, vm0, $0xb8;
	[tilespmem:$0x10100] =	vst v63  }
0xa3: {  	s1 =	simm.s32 $0x2100  }
0xa4: {  	[tilespmem:s1], [sflag:$0x1] =	stream.indirect_vreg.gather [hbm4b:s3+s26], $0x80, v3, vm0, $0xb8;
	[tilespmem:$0x10100] =	vst v63  }
0xa5: {  	s4 =	simm.s32 $0x2900  }
0xa6: {  	[tilespmem:s4], [sflag:$0x1] =	stream.indirect_vreg.gather [hbm4b:s5+s26], $0x80, v3, vm0, $0xb8;
	[tilespmem:$0x10100] =	vst v63  }
0xa7: {  	s1 =	simm.s32 $0x3100  }
0xa8: {  	[tilespmem:s1], [sflag:$0x1] =	stream.indirect_vreg.gather [hbm4b:s6+s26], $0x80, v3, vm0, $0xb8;
	[tilespmem:$0x10100] =	vst v63  }
0xa9: {  	s4 =	simm.s32 $0x3900  }
0xaa: {  	[tilespmem:s4], [sflag:$0x1] =	stream.indirect_vreg.gather [hbm4b:s7+s26], $0x80, v3, vm0, $0xb8;
	[tilespmem:$0x10100] =	vst v63  }
0xab: {  	v3 =	vld [tilespmem:$0x10];
	_ =	sdelay $0x4  }
0xac: {  	v4 =	vshll.u32 v3, $0x3  }
0xad: {  	v3 =	vand.u32 $0x7, v3;
	v4 =	vand.u32 $0xFFFFFFC0, v4  }
0xae: {  	v3 =	vor.u32 v3, v4  }
0xaf: {  	v4 =	vperm.xlane v3, v0;
	_ =	sdelay $0x1  }
0xb0: {  	v4 =	vadd.s32 v1, v4;
	_ =	sdelay $0x3  }
0xb1: {  	s1 =	simm.s32 $0x4100  }
0xb2: {  	[tilespmem:s1], [sflag:$0x1] =	stream.indirect_vreg.gather [hbm4b:s3+s26], $0x80, v4, vm0, $0xb8;
	[tilespmem:$0x10100] =	vst v63  }
0xb3: {  	s4 =	simm.s32 $0x4900;
	v3 =	vperm.xlane v3, v2  }
0xb4: {  	[tilespmem:s4], [sflag:$0x1] =	stream.indirect_vreg.gather [hbm4b:s5+s26], $0x80, v4, vm0, $0xb8;
	[tilespmem:$0x10100] =	vst v63  }
0xb5: {  	v3 =	vadd.s32 v1, v3;
	s1 =	simm.s32 $0x5100  }
0xb6: {  	[tilespmem:s1], [sflag:$0x1] =	stream.indirect_vreg.gather [hbm4b:s6+s26], $0x80, v4, vm0, $0xb8;
	[tilespmem:$0x10100] =	vst v63  }
0xb7: {  	s4 =	simm.s32 $0x5900  }
0xb8: {  	[tilespmem:s4], [sflag:$0x1] =	stream.indirect_vreg.gather [hbm4b:s7+s26], $0x80, v4, vm0, $0xb8;
	[tilespmem:$0x10100] =	vst v63  }
0xb9: {  	s1 =	simm.s32 $0x6100  }
0xba: {  	[tilespmem:s1], [sflag:$0x1] =	stream.indirect_vreg.gather [hbm4b:s3+s26], $0x80, v3, vm0, $0xb8;
	[tilespmem:$0x10100] =	vst v63  }
0xbb: {  	s4 =	simm.s32 $0x6900  }
0xbc: {  	[tilespmem:s4], [sflag:$0x1] =	stream.indirect_vreg.gather [hbm4b:s5+s26], $0x80, v3, vm0, $0xb8;
	[tilespmem:$0x10100] =	vst v63  }
0xbd: {  	s1 =	simm.s32 $0x7100  }
0xbe: {  	[tilespmem:s1], [sflag:$0x1] =	stream.indirect_vreg.gather [hbm4b:s6+s26], $0x80, v3, vm0, $0xb8;
	[tilespmem:$0x10100] =	vst v63  }
0xbf: {  	s4 =	simm.s32 $0x7900  }
0xc0: {  	[tilespmem:s4], [sflag:$0x1] =	stream.indirect_vreg.gather [hbm4b:s7+s26], $0x80, v3, vm0, $0xb8;
	[tilespmem:$0x10100] =	vst v63  }
0xc1: {  	s1 =	rddreg [dreg:$0x7];
	s4 =	simm.s32 $0x80  }
0xc2: {  	[tilespmem:s4], [sflag:$0x2] =	stream.linear.gather [hbm4b:s1+s26], $0x20, $0x38;
	[tilespmem:$0x10100] =	vst v63  }
0xc3: {  	_ =	swait.ge [sflag:s14], $0x20  }
0xc4: {  	[sflag:s14] =	ssyncset.done $0x0  }
0xc5: {  	[sflag:s14] =	ssyncadd.s32 $0xFFFFFFE0  }
0xc6: {  	v3 =	vld [tilespmem:$0x80];
	_ =	sdelay $0x4  }
0xc7: {  	v4 =	vshll.u32 v3, $0x3  }
0xc8: {  	v3 =	vand.u32 $0x7, v3;
	v4 =	vand.u32 $0xFFFFFFC0, v4  }
0xc9: {  	v3 =	vor.u32 v3, v4  }
0xca: {  	v4 =	vperm.xlane v3, v0;
	_ =	sdelay $0x1  }
0xcb: {  	v4 =	vadd.s32 v1, v4;
	_ =	sdelay $0x3  }
0xcc: {  	s1 =	simm.s32 $0x8100  }
0xcd: {  	[tilespmem:s1], [sflag:$0x1] =	stream.indirect_vreg.gather [hbm4b:s3+s26], $0x80, v4, vm0, $0xb8;
	[tilespmem:$0x10100] =	vst v63  }
0xce: {  	s4 =	simm.s32 $0x8900;
	v3 =	vperm.xlane v3, v2  }
0xcf: {  	[tilespmem:s4], [sflag:$0x1] =	stream.indirect_vreg.gather [hbm4b:s5+s26], $0x80, v4, vm0, $0xb8;
	[tilespmem:$0x10100] =	vst v63  }
0xd0: {  	v3 =	vadd.s32 v1, v3  }
0xd1: {  	[tilespmem:s8], [sflag:$0x1] =	stream.indirect_vreg.gather [hbm4b:s6+s26], $0x80, v4, vm0, $0xb8;
	[tilespmem:$0x10100] =	vst v63  }
0xd2: {  	_ = 	snop  }
0xd3: {  	[tilespmem:s9], [sflag:$0x1] =	stream.indirect_vreg.gather [hbm4b:s7+s26], $0x80, v4, vm0, $0xb8;
	[tilespmem:$0x10100] =	vst v63  }
0xd4: {  	_ = 	snop  }
0xd5: {  	[tilespmem:s10], [sflag:$0x1] =	stream.indirect_vreg.gather [hbm4b:s3+s26], $0x80, v3, vm0, $0xb8;
	[tilespmem:$0x10100] =	vst v63  }
0xd6: {  	_ = 	snop  }
0xd7: {  	[tilespmem:s16], [sflag:$0x1] =	stream.indirect_vreg.gather [hbm4b:s5+s26], $0x80, v3, vm0, $0xb8;
	[tilespmem:$0x10100] =	vst v63  }
0xd8: {  	_ = 	snop  }
0xd9: {  	[tilespmem:s11], [sflag:$0x1] =	stream.indirect_vreg.gather [hbm4b:s6+s26], $0x80, v3, vm0, $0xb8;
	[tilespmem:$0x10100] =	vst v63  }
0xda: {  	_ = 	snop  }
0xdb: {  	[tilespmem:s17], [sflag:$0x1] =	stream.indirect_vreg.gather [hbm4b:s7+s26], $0x80, v3, vm0, $0xb8;
	[tilespmem:$0x10100] =	vst v63  }
0xdc: {  	v3 =	vld [tilespmem:$0x90];
	_ =	sdelay $0x4  }
0xdd: {  	v4 =	vshll.u32 v3, $0x3  }
0xde: {  	v3 =	vand.u32 $0x7, v3;
	v4 =	vand.u32 $0xFFFFFFC0, v4  }
0xdf: {  	v3 =	vor.u32 v3, v4  }
0xe0: {  	v4 =	vperm.xlane v3, v0;
	_ =	sdelay $0x1  }
0xe1: {  	v4 =	vadd.s32 v1, v4;
	_ =	sdelay $0x4  }
0xe2: {  	[tilespmem:s12], [sflag:$0x1] =	stream.indirect_vreg.gather [hbm4b:s3+s26], $0x80, v4, vm0, $0xb8;
	[tilespmem:$0x10100] =	vst v63  }
0xe3: {  	v3 =	vperm.xlane v3, v2  }
0xe4: {  	[tilespmem:s18], [sflag:$0x1] =	stream.indirect_vreg.gather [hbm4b:s5+s26], $0x80, v4, vm0, $0xb8;
	[tilespmem:$0x10100] =	vst v63  }
0xe5: {  	v3 =	vadd.s32 v1, v3  }
0xe6: {  	[tilespmem:s13], [sflag:$0x1] =	stream.indirect_vreg.gather [hbm4b:s6+s26], $0x80, v4, vm0, $0xb8;
	[tilespmem:$0x10100] =	vst v63  }
0xe7: {  	_ = 	snop  }
0xe8: {  	[tilespmem:s19], [sflag:$0x1] =	stream.indirect_vreg.gather [hbm4b:s7+s26], $0x80, v4, vm0, $0xb8;
	[tilespmem:$0x10100] =	vst v63  }
0xe9: {  	_ = 	snop  }
0xea: {  	[tilespmem:s20], [sflag:$0x1] =	stream.indirect_vreg.gather [hbm4b:s3+s26], $0x80, v3, vm0, $0xb8;
	[tilespmem:$0x10100] =	vst v63  }
0xeb: {  	_ = 	snop  }
0xec: {  	[tilespmem:s21], [sflag:$0x1] =	stream.indirect_vreg.gather [hbm4b:s5+s26], $0x80, v3, vm0, $0xb8;
	[tilespmem:$0x10100] =	vst v63  }
0xed: {  	_ = 	snop  }
0xee: {  	[tilespmem:s22], [sflag:$0x1] =	stream.indirect_vreg.gather [hbm4b:s6+s26], $0x80, v3, vm0, $0xb8;
	[tilespmem:$0x10100] =	vst v63  }
0xef: {  	_ = 	snop  }
0xf0: {  	[tilespmem:s23], [sflag:$0x1] =	stream.indirect_vreg.gather [hbm4b:s7+s26], $0x80, v3, vm0, $0xb8;
	[tilespmem:$0x10100] =	vst v63  }
0xf1: {  	_ =	swait.ge [sflag:s24], $0x8000  }
0xf2: {  	s0 =	sand.u32 $0x70, s26;
	s1 =	simm.s32 $0x0;
	[sflag:s24] =	ssyncset.done $0x0  }
0xf3: {  	s1 =	sand.u32 $0x6000, s1;
	s4 =	sand.u32 $0x1C00, s26;
	[sflag:s24] =	ssyncadd.s32 $0xFFFF8000  }
0xf4: {  	s0 =	sor.u32 s4, s0;
	s26 =	simm.s32 $0x0;
	_ =	swait.ge [sflag:s24], $0x8000  }
0xf5: {  	s0 =	sor.u32 s1, s0;
	s26 =	sand.u32 $0x380, s26;
	[sflag:s24] =	ssyncset.done $0x0  }
0xf6: {  	s26 =	sor.u32 s26, s0;
	[sflag:s24] =	ssyncadd.s32 $0xFFFF8000  }
0xf7: {  	v3 =	vld [tilespmem:s26+$0x8100]  }
0xf8: {  	v4 =	vld [tilespmem:s26+$0x100];
	_ =	sdelay $0x1  }
0xf9: {  	s31 =	simm.s32 $0x2;
	s28 =	simm.s32 $0x10;
	s29 =	simm.s32 $0x80  }
0xfa: {  	s4 =	sand.u32 $0x1C00, s29;
	s1 =	sand.u32 $0x70, s28;
	s0 =	simm.s32 $0x10  }
0xfb: {  	s30 =	simm.s32 $0x2;
	s1 =	sor.u32 s4, s1;
	s0 =	sand.u32 $0x6000, s0  }
.LBB2_4:
0xfc: {  	p0 =	sne.s32 s30, $0x7FF;
	s4 =	sand.u32 $0x380, s31;
	s0 =	sor.u32 s0, s1;
	v4 =	vadd.f32 v3, v4  }
0xfd: {  	s0 =	sor.u32 s4, s0  }
0xfe: {  	v3 =	vld [tilespmem:s0+$0x8100];
	[tilespmem:s26+$0x100] =	vst v4;
	s26 =	smov.u32 s0  }
.Ltmp1:
0xff: {  	v4 =	vld [tilespmem:s26+$0x100];
	(pc) =	sbr.rel @p0 .LBB2_4-.Ltmp1, $4  }
0x100: {  	_ = 	snop  }
0x101: {  	s31 =	sshll.u32 s30, $0x1;
	s28 =	sadd.s32 $0x10, s28;
	s29 =	sadd.s32 $0x80, s29  }
0x102: {  	s1 =	sand.u32 $0x70, s28;
	s4 =	sand.u32 $0x1C00, s29;
	s0 =	sshll.u32 s30, $0x4  }
0x103: {  	s1 =	sor.u32 s4, s1;
	s30 =	sadd.s32 $0x1, s30;
	s0 =	sand.u32 $0x6000, s0  }
0x104: {  	s4 =	sand.u32 $0x380, s31;
	s0 =	sor.u32 s0, s1;
	v3 =	vadd.f32 v3, v4  }
0x105: {  	s0 =	sor.u32 s4, s0  }
0x106: {  	v63 =	vld [tilespmem:s0+$0x8100];
	[tilespmem:s26+$0x100] =	vst v3  }
0x107: {  	v3 =	vld [tilespmem:s0+$0x100];
	_ =	sdelay $0x4  }
0x108: {  	v3 =	vadd.f32 v63, v3;
	_ =	sdelay $0x1  }
0x109: {  	s30 =	rddreg [dreg:$0x8];
	[tilespmem:s0+$0x100] =	vst v3  }
0x10a: {  	[hbm4b:s30+s2] =	stream.linear.scatter [tilespmem:s15], [sflag:$0x2], $0x8000, $0x38;
	[tilespmem:$0x10100] =	vst v63  }
0x10b: {  	_ =	swait.ge [sflag:s14], $0x8000  }
0x10c: {  	s25 =	sadd.s32 $0x1, s25;
	s31 =	rddreg [dreg:$0x9]  }
0x10d: {  	p0 =	sne.s32 s25, s31  }
.Ltmp2:
0x10e: {  	_ = 	snop;
	(pc) =	sbr.rel @p0 .LBB2_1-.Ltmp2, $3  }
0x10f: {  	_ =	sdelay $0x1  }
0x110: {  	[sflag:s14] =	ssyncset.done $0x0  }
0x111: {  	[sflag:s14] =	ssyncadd.s32 $0xFFFF8000  }
0x112: {  	_ =	sfence.sel $0x180000  }
0x113: {  	[bflag:$0x0] =	sbarrier.arrive $0xFFFF  }
0x114: {  	_ =	strace $0x9000004D  }
0x115: {  	s0 =	stileid.u32;
	[bflag:$0x2] =	sbarrier.arrive $0xFFFF  }
0x116: {  	p0 =	sne.s32 s0, $0x0;
	s0 =	rddreg [dreg:$0x2]  }
0x117: {  	s0 =	sadd.s32 @!p0 $0x100000, s0  }
0x118: {  	[sflag:s0] =	ssyncadd.tile.s32 @!p0 $0x1;
	_ =	shalt  }
.Lfunc_end2:
_tile_overlayer_lowered:
.L_overlay_start_2:
0x119: {  	(tag) =	ssettag $0x2  }
0x11a: {  	s0 =	rddreg [dreg:$0x0];
	s2 =	stileid.u32  }
0x11b: {  	s1 =	rddreg [dreg:$0x1];
	p0 =	sne.s32 s2, $0x0  }
0x11c: {  	s3 =	rddreg [dreg:$0x2];
	[bflag:$0x3] =	sbarrier.arrive $0xFFFF;
	s2 =	simm.s32 @!p0 $0x1C02  }
0x11d: {  	[timem:s3], [sflag:s2] =	dma.local @!p0 [hbm:s0], s1  }
0x11e: {  	s0 =	simm.s32 @!p0 $0x2  }
0x11f: {  	_ =	swait.ge @!p0 [sflag:s0], s1  }
0x120: {  	s1 =	ssub.s32 @!p0 $0x0, s1;
	[sflag:s0] =	ssyncset.done @!p0 $0x0  }
0x121: {  	[sflag:s0] =	ssyncadd.s32 @!p0 s1  }
0x122: {  	[bflag:$0x3] =	sbarrier.arrive $0xFFFF  }
0x123: {  	_ =	shalt  }

</sc_bundles>
